<compile_context>
chip_gen: v7x
topology: tpu7x:2x2x1
jax: 0.10.2.dev20260603
libtpu: 0.0.44.dev20260713+nightly
codegen_flags: <defaults>
</compile_context>

<pallas_src>
import functools

import jax
import jax.numpy as jnp
from jax import lax
from jax.experimental import pallas as pl
from jax.experimental.pallas import tpu as pltpu
from jax.experimental.pallas import tpu_sc as plsc

N = 10000
E = 320000
F_IN = 128
H = 128
C = 64

NPAD = 10240
NW = 32
CHW = 125
NCH = E // CHW
WCH = NCH // NW
PH0 = 40

_mesh = plsc.VectorSubcoreMesh(core_axis_name="c", subcore_axis_name="s")


@functools.partial(
    pl.kernel,
    mesh=_mesh,
    out_type=jax.ShapeDtypeStruct((2, 2, 1, NPAD), jnp.float32),
    scratch_types=[
        pltpu.VMEM((2, WCH, CHW), jnp.int32),
        pltpu.VMEM((CHW,), jnp.float32),
        pltpu.VMEM_SHARED((2 * NPAD,), jnp.float32),
        pltpu.SemaphoreType.DMA,
    ],
)
def _sc_degrees(idx_hbm, ones_hbm, zeros_hbm, out_hbm, idx_v, ones_v, acc_sh,
                sem):
    c = lax.axis_index("c")
    s = lax.axis_index("s")
    wid = s * 2 + c
    sl = (2 * NPAD) // 16
    pltpu.sync_copy(zeros_hbm.at[pl.ds(s * sl, sl)], acc_sh.at[pl.ds(s * sl, sl)])
    pltpu.sync_copy(ones_hbm, ones_v)
    pltpu.sync_copy(idx_hbm.at[0, pl.ds(wid * WCH, WCH)],
                    idx_v.at[0])
    pltpu.sync_copy(idx_hbm.at[1, pl.ds(wid * WCH, WCH)],
                    idx_v.at[1])
    plsc.subcore_barrier()

    for h in range(2):
        def body(j, carry, h=h):
            pltpu.async_copy(ones_v, acc_sh.at[idx_v.at[h, j]], sem, add=True)
            return carry

        lax.fori_loop(0, WCH, body, 0)

    def drain(j, carry):
        pltpu.make_async_copy(ones_v, acc_sh.at[idx_v.at[0, 0]], sem).wait()
        return carry

    lax.fori_loop(0, 2 * WCH, drain, 0)
    plsc.subcore_barrier()
    pltpu.sync_copy(
        acc_sh.at[pl.ds(s * sl, sl)],
        out_hbm.at[c, s // 8, 0, pl.ds((s % 8) * sl, sl)])


def _make_sc_agg(F, ph, chw=CHW, tc_tiling=True):
    kw = {}
    if not tc_tiling:
        kw["compiler_params"] = pltpu.CompilerParams(use_tc_tiling_on_sc=False)
    rows_shape = (chw, F)

    @functools.partial(
        pl.kernel,
        mesh=_mesh,
        out_type=jax.ShapeDtypeStruct((2, NPAD, F), jnp.float32),
        scratch_types=[
            pltpu.VMEM((ph, chw), jnp.int32),
            pltpu.VMEM((ph, chw), jnp.int32),
            pltpu.VMEM(rows_shape, jnp.float32),
            pltpu.VMEM(rows_shape, jnp.float32),
            pltpu.VMEM_SHARED((NPAD, F), jnp.float32),
            pltpu.SemaphoreType.DMA,
            pltpu.SemaphoreType.DMA,
        ],
        **kw,
    )
    def _sc_agg(table_hbm, sidx_hbm, didx_hbm, zeros_hbm, out_hbm,
                sidx_v, didx_v, rows0_v, rows1_v, acc_sh, g0, g1):
        c = lax.axis_index("c")
        s = lax.axis_index("s")
        wid = s * 2 + c
        rs = NPAD // 16
        pltpu.sync_copy(zeros_hbm.at[pl.ds(s * rs, rs)], acc_sh.at[pl.ds(s * rs, rs)])
        plsc.subcore_barrier()

        def sidx(j):
            return sidx_v.at[j]

        def didx(j):
            return didx_v.at[j]

        def ring(cpp):
            nd = cpp
            pltpu.async_copy(table_hbm.at[sidx(0)], rows0_v, g0)

            def body(j2, carry):
                j = j2 * 2
                pltpu.make_async_copy(table_hbm.at[sidx(j)], rows0_v,
                                      g0).wait()
                pltpu.async_copy(table_hbm.at[sidx(j + 1)], rows1_v, g1)
                pltpu.sync_copy(rows0_v, acc_sh.at[didx(j)], add=True)
                pltpu.make_async_copy(table_hbm.at[sidx(j + 1)], rows1_v,
                                      g1).wait()

                @pl.when(j2 < nd // 2 - 1)
                def _():
                    pltpu.async_copy(table_hbm.at[sidx(j + 2)], rows0_v, g0)

                pltpu.sync_copy(rows1_v, acc_sh.at[didx(j + 1)], add=True)
                return carry

            lax.fori_loop(0, nd // 2, body, 0)

        for p in range(WCH // ph):
            base = wid * WCH + p * ph
            pltpu.sync_copy(sidx_hbm.at[pl.ds(base, ph)], sidx_v)
            pltpu.sync_copy(didx_hbm.at[pl.ds(base, ph)], didx_v)
            ring(ph)

        plsc.subcore_barrier()
        pltpu.sync_copy(acc_sh.at[pl.ds(s * rs, rs)],
                        out_hbm.at[c, pl.ds(s * rs, rs)])

    return _sc_agg


_sc_agg_h = _make_sc_agg(H, PH0)
_sc_agg_c = _make_sc_agg(C, WCH, tc_tiling=False)


def _norm_col(deg_ref, which):
    d = deg_ref[0, which, 0, :] + deg_ref[1, which, 0, :]
    nrm = lax.rsqrt(jnp.maximum(d, 1.0))
    nb = jnp.broadcast_to(nrm.reshape(1, NPAD), (8, NPAD))
    return lax.transpose(nb, (1, 0))[0:N, 0:1]


def _tc_prep_body(x_ref, w_ref, deg_ref, o_ref):
    norm_src = _norm_col(deg_ref, 0)
    x = x_ref[...] * norm_src
    o_ref[...] = jnp.dot(x, w_ref[...], preferred_element_type=jnp.float32)


def _tc_mid_body(aggp_ref, deg_ref, b1_ref, w2_ref, o_ref):
    norm_src = _norm_col(deg_ref, 0)
    norm_dst = _norm_col(deg_ref, 1)
    agg = aggp_ref[0, 0:N, :] + aggp_ref[1, 0:N, :]
    h = jnp.maximum(agg * norm_dst + b1_ref[...], 0.0)
    o_ref[...] = jnp.dot(h * norm_src, w2_ref[...],
                         preferred_element_type=jnp.float32)


def _tc_fin_body(aggp_ref, deg_ref, b2_ref, o_ref):
    norm_dst = _norm_col(deg_ref, 1)
    agg = aggp_ref[0, 0:N, :] + aggp_ref[1, 0:N, :]
    o_ref[...] = agg * norm_dst + b2_ref[...]


def kernel(n_feats, edge_index, W1, b1, W2, b2):
    ei = edge_index.astype(jnp.int32)
    src_c = ei[0].reshape(NCH, CHW)
    dst_c = ei[1].reshape(NCH, CHW)
    deg_idx = (ei + jnp.array([[0], [NPAD]], jnp.int32)).reshape(2, NCH, CHW)

    ones_chunk = jnp.ones((CHW,), jnp.float32)
    zeros_deg = jnp.zeros((2 * NPAD,), jnp.float32)
    zeros_h = jnp.zeros((NPAD, H), jnp.float32)
    zeros_c = jnp.zeros((NPAD, C), jnp.float32)

    degp = _sc_degrees(deg_idx, ones_chunk, zeros_deg)

    xw = pl.pallas_call(
        _tc_prep_body,
        out_shape=jax.ShapeDtypeStruct((N, H), jnp.float32),
    )(n_feats, W1, degp)

    agg1p = _sc_agg_h(xw, src_c, dst_c, zeros_h)

    y = pl.pallas_call(
        _tc_mid_body,
        out_shape=jax.ShapeDtypeStruct((N, C), jnp.float32),
    )(agg1p, degp, b1.reshape(1, H), W2)

    agg2p = _sc_agg_c(y, src_c, dst_c, zeros_c)

    out = pl.pallas_call(
        _tc_fin_body,
        out_shape=jax.ShapeDtypeStruct((N, C), jnp.float32),
    )(agg2p, degp, b2.reshape(1, C))

    return out

# --- scband reference (transcript-rebuilt; emitter-appended) ---
"""Pipeline reference for scband-parametrize-gcn-19052474925489 (READ-ONLY COPY).

The authoritative reference and input builder live on the scoring server;
editing this copy changes nothing except your own understanding.
"""

import jax, jax.numpy as jnp
import numpy as np

N = 10000
E = 320000
F_IN = 128
H = 128
C = 64

def setup_inputs(seed: int = 0):
    key = jax.random.key(seed)
    ks = jax.random.split(key, 6)
    n_feats = jax.random.normal(ks[0], (N, F_IN), dtype=jnp.float32)
    edge_index = jax.random.randint(ks[1], (2, E), 0, N, dtype=jnp.int32)
    W1 = jax.random.normal(ks[2], (F_IN, H), dtype=jnp.float32) * (1.0 / np.sqrt(F_IN))
    b1 = jnp.zeros((H,), dtype=jnp.float32)
    W2 = jax.random.normal(ks[3], (H, C), dtype=jnp.float32) * (1.0 / np.sqrt(H))
    b2 = jnp.zeros((C,), dtype=jnp.float32)
    return {"n_feats": n_feats, "edge_index": edge_index, "W1": W1, "b1": b1, "W2": W2, "b2": b2}

def _graph_conv(x, W, b, src, dst, norm_src, norm_dst, act):
    # DGL GraphConv with norm='both': D^{-1/2} A D^{-1/2} X W + b
    x = x * norm_src[:, None]
    if W.shape[0] > W.shape[1]:
        # mult W first when in_feats > out_feats (DGL optimization, same math)
        x = x @ W
        agg = jax.ops.segment_sum(x[src], dst, num_segments=N)
    else:
        agg = jax.ops.segment_sum(x[src], dst, num_segments=N)
        agg = agg @ W
    r = agg * norm_dst[:, None] + b
    if act:
        r = jax.nn.relu(r)
    return r

def reference(n_feats, edge_index, W1, b1, W2, b2):
    src = edge_index[0]
    dst = edge_index[1]
    ones = jnp.ones((E,), dtype=jnp.float32)
    deg_out = jnp.maximum(jax.ops.segment_sum(ones, src, num_segments=N), 1.0)
    deg_in = jnp.maximum(jax.ops.segment_sum(ones, dst, num_segments=N), 1.0)
    norm_src = deg_out ** -0.5
    norm_dst = deg_in ** -0.5
    h = _graph_conv(n_feats, W1, b1, src, dst, norm_src, norm_dst, True)
    # nn.Dropout is identity in eval mode
    out = _graph_conv(h, W2, b2, src, dst, norm_src, norm_dst, False)
    return out

if __name__ == "__main__":
    import jax
    _d = setup_inputs()
    print(jax.jit(kernel)(*tuple(_d.values())))

</pallas_src>

<mosaic_0001>
#map = affine_map<(d0, d1) -> (0, 0, 0)>
#map1 = affine_map<(d0, d1) -> (0)>
#map2 = affine_map<(d0, d1) -> (0, 0, 0, 0)>
module attributes {stable_mosaic.version = 14 : i64} {
  func.func @_sc_degrees(%arg0: i32, %arg1: i32, %arg2: memref<2x2560x125xi32, #tpu.memory_space<hbm>>, %arg3: memref<125xf32, #tpu.memory_space<hbm>>, %arg4: memref<20480xf32, #tpu.memory_space<hbm>>, %arg5: memref<2x2x1x10240xf32, #tpu.memory_space<hbm>>, %arg6: memref<2x80x125xi32, #tpu.memory_space<vmem>>, %arg7: memref<125xf32, #tpu.memory_space<vmem>>, %arg8: memref<20480xf32, #tpu.memory_space<vmem_shared>>, %arg9: memref<!tpu.dma_semaphore, #tpu.memory_space<semaphore_mem>>) attributes {dimension_semantics = [#tpu.dimension_semantics<core_parallel>, #tpu.dimension_semantics<subcore_parallel>], iteration_bounds = array<i64: 2, 16>, scalar_prefetch = 0 : i64, scratch_operands = 4 : i64, tpu.core_type = #tpu.core_type<sc_vector_subcore>, window_params = [{transform_indices = #map}, {transform_indices = #map1}, {transform_indices = #map1}, {transform_indices = #map2}]} {
    %mul3A = arith.constant 2 : i32
    %mul3A_0 = arith.muli %arg1, %mul3A : i32
    %add3A = arith.addi %mul3A_0, %arg0 : i32
    %mul3A_1 = arith.constant 1280 : i32
    %mul3A_2 = arith.muli %arg1, %mul3A_1 : i32
    %mul3A_3 = arith.constant 1280 : i32
    %mul3A_4 = arith.muli %arg1, %mul3A_3 : i32
    "tpu.region"() ({
      %run_scoped3A_65 = tpu.sem_alloc : memref<!tpu.dma_semaphore, #tpu.memory_space<semaphore_mem>>
      %dma_start3A = tpu.memref_slice %arg8[%mul3A_4] : memref<20480xf32, #tpu.memory_space<vmem_shared>> -> memref<1280xf32, #tpu.memory_space<vmem_shared>>
      %dma_start3A_66 = tpu.memref_slice %arg4[%mul3A_2] : memref<20480xf32, #tpu.memory_space<hbm>> -> memref<1280xf32, #tpu.memory_space<hbm>>
      tpu.enqueue_dma source(%dma_start3A_66 : memref<1280xf32, #tpu.memory_space<hbm>>) target(%dma_start3A : memref<1280xf32, #tpu.memory_space<vmem_shared>>) target_semaphore(%run_scoped3A_65 : memref<!tpu.dma_semaphore, #tpu.memory_space<semaphore_mem>>)
      %dma_wait3A = tpu.memref_slice %arg8[%mul3A_4] : memref<20480xf32, #tpu.memory_space<vmem_shared>> -> memref<1280xf32, #tpu.memory_space<vmem_shared>>
      %dma_wait3A_67 = tpu.memref_slice %arg4[%mul3A_2] : memref<20480xf32, #tpu.memory_space<hbm>> -> memref<1280xf32, #tpu.memory_space<hbm>>
      tpu.wait_dma2 semaphore(%run_scoped3A_65 : memref<!tpu.dma_semaphore, #tpu.memory_space<semaphore_mem>>) src(%dma_wait3A_67 : memref<1280xf32, #tpu.memory_space<hbm>>) dst(%dma_wait3A : memref<1280xf32, #tpu.memory_space<vmem_shared>>)
      tpu.yield
    }) : () -> ()
    "tpu.region"() ({
      %run_scoped3A_65 = tpu.sem_alloc : memref<!tpu.dma_semaphore, #tpu.memory_space<semaphore_mem>>
      tpu.enqueue_dma source(%arg3 : memref<125xf32, #tpu.memory_space<hbm>>) target(%arg7 : memref<125xf32, #tpu.memory_space<vmem>>) target_semaphore(%run_scoped3A_65 : memref<!tpu.dma_semaphore, #tpu.memory_space<semaphore_mem>>)
      tpu.wait_dma2 semaphore(%run_scoped3A_65 : memref<!tpu.dma_semaphore, #tpu.memory_space<semaphore_mem>>) src(%arg3 : memref<125xf32, #tpu.memory_space<hbm>>) dst(%arg7 : memref<125xf32, #tpu.memory_space<vmem>>)
      tpu.yield
    }) : () -> ()
    %mul3A_5 = arith.constant 80 : i32
    %mul3A_6 = arith.muli %add3A, %mul3A_5 : i32
    %run_scoped3A = arith.constant 0 : i32
    %run_scoped3A_7 = arith.constant 0 : i32
    "tpu.region"() ({
      %run_scoped3A_65 = tpu.sem_alloc : memref<!tpu.dma_semaphore, #tpu.memory_space<semaphore_mem>>
      %dma_start3A = arith.constant 0 : i32
      %dma_start3A_66 = arith.constant 0 : i32
      %dma_start3A_67 = tpu.memref_slice %arg6[%run_scoped3A_7, %dma_start3A, %dma_start3A_66] : memref<2x80x125xi32, #tpu.memory_space<vmem>> -> memref<1x80x125xi32, #tpu.memory_space<vmem>>
      %dma_start3A_68 = tpu.memref_squeeze %dma_start3A_67 : memref<1x80x125xi32, #tpu.memory_space<vmem>> -> memref<80x125xi32, #tpu.memory_space<vmem>>
      %dma_start3A_69 = arith.constant 0 : i32
      %dma_start3A_70 = tpu.memref_slice %arg2[%run_scoped3A, %mul3A_6, %dma_start3A_69] : memref<2x2560x125xi32, #tpu.memory_space<hbm>> -> memref<1x80x125xi32, #tpu.memory_space<hbm>>
      %dma_start3A_71 = tpu.memref_squeeze %dma_start3A_70 : memref<1x80x125xi32, #tpu.memory_space<hbm>> -> memref<80x125xi32, #tpu.memory_space<hbm>>
      %dma_start3A_72 = arith.constant 0 : i32
      %dma_start3A_73 = arith.constant 0 : i32
      %dma_start3A_74 = tpu.memref_slice %arg6[%run_scoped3A_7, %dma_start3A_72, %dma_start3A_73] : memref<2x80x125xi32, #tpu.memory_space<vmem>> -> memref<1x80x125xi32, #tpu.memory_space<vmem>>
      %dma_start3A_75 = tpu.memref_squeeze %dma_start3A_74 : memref<1x80x125xi32, #tpu.memory_space<vmem>> -> memref<80x125xi32, #tpu.memory_space<vmem>>
      %dma_start3A_76 = arith.constant 0 : i32
      %dma_start3A_77 = tpu.memref_slice %arg2[%run_scoped3A, %mul3A_6, %dma_start3A_76] : memref<2x2560x125xi32, #tpu.memory_space<hbm>> -> memref<1x80x125xi32, #tpu.memory_space<hbm>>
      %dma_start3A_78 = tpu.memref_squeeze %dma_start3A_77 : memref<1x80x125xi32, #tpu.memory_space<hbm>> -> memref<80x125xi32, #tpu.memory_space<hbm>>
      tpu.enqueue_dma source(%dma_start3A_78 : memref<80x125xi32, #tpu.memory_space<hbm>>) target(%dma_start3A_75 : memref<80x125xi32, #tpu.memory_space<vmem>>) target_semaphore(%run_scoped3A_65 : memref<!tpu.dma_semaphore, #tpu.memory_space<semaphore_mem>>)
      %dma_wait3A = arith.constant 0 : i32
      %dma_wait3A_79 = arith.constant 0 : i32
      %dma_wait3A_80 = tpu.memref_slice %arg6[%run_scoped3A_7, %dma_wait3A, %dma_wait3A_79] : memref<2x80x125xi32, #tpu.memory_space<vmem>> -> memref<1x80x125xi32, #tpu.memory_space<vmem>>
      %dma_wait3A_81 = tpu.memref_squeeze %dma_wait3A_80 : memref<1x80x125xi32, #tpu.memory_space<vmem>> -> memref<80x125xi32, #tpu.memory_space<vmem>>
      %dma_wait3A_82 = arith.constant 0 : i32
      %dma_wait3A_83 = tpu.memref_slice %arg2[%run_scoped3A, %mul3A_6, %dma_wait3A_82] : memref<2x2560x125xi32, #tpu.memory_space<hbm>> -> memref<1x80x125xi32, #tpu.memory_space<hbm>>
      %dma_wait3A_84 = tpu.memref_squeeze %dma_wait3A_83 : memref<1x80x125xi32, #tpu.memory_space<hbm>> -> memref<80x125xi32, #tpu.memory_space<hbm>>
      %dma_wait3A_85 = arith.constant 0 : i32
      %dma_wait3A_86 = arith.constant 0 : i32
      %dma_wait3A_87 = tpu.memref_slice %arg6[%run_scoped3A_7, %dma_wait3A_85, %dma_wait3A_86] : memref<2x80x125xi32, #tpu.memory_space<vmem>> -> memref<1x80x125xi32, #tpu.memory_space<vmem>>
      %dma_wait3A_88 = tpu.memref_squeeze %dma_wait3A_87 : memref<1x80x125xi32, #tpu.memory_space<vmem>> -> memref<80x125xi32, #tpu.memory_space<vmem>>
      %dma_wait3A_89 = arith.constant 0 : i32
      %dma_wait3A_90 = tpu.memref_slice %arg2[%run_scoped3A, %mul3A_6, %dma_wait3A_89] : memref<2x2560x125xi32, #tpu.memory_space<hbm>> -> memref<1x80x125xi32, #tpu.memory_space<hbm>>
      %dma_wait3A_91 = tpu.memref_squeeze %dma_wait3A_90 : memref<1x80x125xi32, #tpu.memory_space<hbm>> -> memref<80x125xi32, #tpu.memory_space<hbm>>
      tpu.wait_dma2 semaphore(%run_scoped3A_65 : memref<!tpu.dma_semaphore, #tpu.memory_space<semaphore_mem>>) src(%dma_wait3A_91 : memref<80x125xi32, #tpu.memory_space<hbm>>) dst(%dma_wait3A_88 : memref<80x125xi32, #tpu.memory_space<vmem>>)
      tpu.yield
    }) : () -> ()
    %mul3A_8 = arith.constant 80 : i32
    %mul3A_9 = arith.muli %add3A, %mul3A_8 : i32
    %run_scoped3A_10 = arith.constant 1 : i32
    %run_scoped3A_11 = arith.constant 1 : i32
    "tpu.region"() ({
      %run_scoped3A_65 = tpu.sem_alloc : memref<!tpu.dma_semaphore, #tpu.memory_space<semaphore_mem>>
      %dma_start3A = arith.constant 0 : i32
      %dma_start3A_66 = arith.constant 0 : i32
      %dma_start3A_67 = tpu.memref_slice %arg6[%run_scoped3A_11, %dma_start3A, %dma_start3A_66] : memref<2x80x125xi32, #tpu.memory_space<vmem>> -> memref<1x80x125xi32, #tpu.memory_space<vmem>>
      %dma_start3A_68 = tpu.memref_squeeze %dma_start3A_67 : memref<1x80x125xi32, #tpu.memory_space<vmem>> -> memref<80x125xi32, #tpu.memory_space<vmem>>
      %dma_start3A_69 = arith.constant 0 : i32
      %dma_start3A_70 = tpu.memref_slice %arg2[%run_scoped3A_10, %mul3A_9, %dma_start3A_69] : memref<2x2560x125xi32, #tpu.memory_space<hbm>> -> memref<1x80x125xi32, #tpu.memory_space<hbm>>
      %dma_start3A_71 = tpu.memref_squeeze %dma_start3A_70 : memref<1x80x125xi32, #tpu.memory_space<hbm>> -> memref<80x125xi32, #tpu.memory_space<hbm>>
      %dma_start3A_72 = arith.constant 0 : i32
      %dma_start3A_73 = arith.constant 0 : i32
      %dma_start3A_74 = tpu.memref_slice %arg6[%run_scoped3A_11, %dma_start3A_72, %dma_start3A_73] : memref<2x80x125xi32, #tpu.memory_space<vmem>> -> memref<1x80x125xi32, #tpu.memory_space<vmem>>
      %dma_start3A_75 = tpu.memref_squeeze %dma_start3A_74 : memref<1x80x125xi32, #tpu.memory_space<vmem>> -> memref<80x125xi32, #tpu.memory_space<vmem>>
      %dma_start3A_76 = arith.constant 0 : i32
      %dma_start3A_77 = tpu.memref_slice %arg2[%run_scoped3A_10, %mul3A_9, %dma_start3A_76] : memref<2x2560x125xi32, #tpu.memory_space<hbm>> -> memref<1x80x125xi32, #tpu.memory_space<hbm>>
      %dma_start3A_78 = tpu.memref_squeeze %dma_start3A_77 : memref<1x80x125xi32, #tpu.memory_space<hbm>> -> memref<80x125xi32, #tpu.memory_space<hbm>>
      tpu.enqueue_dma source(%dma_start3A_78 : memref<80x125xi32, #tpu.memory_space<hbm>>) target(%dma_start3A_75 : memref<80x125xi32, #tpu.memory_space<vmem>>) target_semaphore(%run_scoped3A_65 : memref<!tpu.dma_semaphore, #tpu.memory_space<semaphore_mem>>)
      %dma_wait3A = arith.constant 0 : i32
      %dma_wait3A_79 = arith.constant 0 : i32
      %dma_wait3A_80 = tpu.memref_slice %arg6[%run_scoped3A_11, %dma_wait3A, %dma_wait3A_79] : memref<2x80x125xi32, #tpu.memory_space<vmem>> -> memref<1x80x125xi32, #tpu.memory_space<vmem>>
      %dma_wait3A_81 = tpu.memref_squeeze %dma_wait3A_80 : memref<1x80x125xi32, #tpu.memory_space<vmem>> -> memref<80x125xi32, #tpu.memory_space<vmem>>
      %dma_wait3A_82 = arith.constant 0 : i32
      %dma_wait3A_83 = tpu.memref_slice %arg2[%run_scoped3A_10, %mul3A_9, %dma_wait3A_82] : memref<2x2560x125xi32, #tpu.memory_space<hbm>> -> memref<1x80x125xi32, #tpu.memory_space<hbm>>
      %dma_wait3A_84 = tpu.memref_squeeze %dma_wait3A_83 : memref<1x80x125xi32, #tpu.memory_space<hbm>> -> memref<80x125xi32, #tpu.memory_space<hbm>>
      %dma_wait3A_85 = arith.constant 0 : i32
      %dma_wait3A_86 = arith.constant 0 : i32
      %dma_wait3A_87 = tpu.memref_slice %arg6[%run_scoped3A_11, %dma_wait3A_85, %dma_wait3A_86] : memref<2x80x125xi32, #tpu.memory_space<vmem>> -> memref<1x80x125xi32, #tpu.memory_space<vmem>>
      %dma_wait3A_88 = tpu.memref_squeeze %dma_wait3A_87 : memref<1x80x125xi32, #tpu.memory_space<vmem>> -> memref<80x125xi32, #tpu.memory_space<vmem>>
      %dma_wait3A_89 = arith.constant 0 : i32
      %dma_wait3A_90 = tpu.memref_slice %arg2[%run_scoped3A_10, %mul3A_9, %dma_wait3A_89] : memref<2x2560x125xi32, #tpu.memory_space<hbm>> -> memref<1x80x125xi32, #tpu.memory_space<hbm>>
      %dma_wait3A_91 = tpu.memref_squeeze %dma_wait3A_90 : memref<1x80x125xi32, #tpu.memory_space<hbm>> -> memref<80x125xi32, #tpu.memory_space<hbm>>
      tpu.wait_dma2 semaphore(%run_scoped3A_65 : memref<!tpu.dma_semaphore, #tpu.memory_space<semaphore_mem>>) src(%dma_wait3A_91 : memref<80x125xi32, #tpu.memory_space<hbm>>) dst(%dma_wait3A_88 : memref<80x125xi32, #tpu.memory_space<vmem>>)
      tpu.yield
    }) : () -> ()
    %barrier3A = arith.constant 0 : index
    tpu.barrier barrier_id(%barrier3A)
    %scan3A = arith.constant 0 : i32
    %scan3A_12 = arith.constant 0 : i32
    %scan3A_13 = arith.constant 80 : i32
    %scan3A_14 = arith.addi %scan3A_12, %scan3A_13 : i32
    %scan3A_15 = arith.constant 1 : i32
    scf.for %scan3A_65 = %scan3A_12 to %scan3A_14 step %scan3A_15  : i32 {
      %dma_start3A = arith.constant 0 : i32
      %dma_start3A_66 = arith.constant 0 : i32
      %dma_start3A_67 = tpu.memref_slice %arg6[%dma_start3A, %scan3A_65, %dma_start3A_66] : memref<2x80x125xi32, #tpu.memory_space<vmem>> -> memref<1x1x125xi32, #tpu.memory_space<vmem>>
      %dma_start3A_68 = tpu.memref_squeeze %dma_start3A_67 : memref<1x1x125xi32, #tpu.memory_space<vmem>> -> memref<125xi32, #tpu.memory_space<vmem>>
      %dma_start3A_69 = arith.constant 0 : i32
      %dma_start3A_70 = tpu.memref_slice %arg8[%dma_start3A_69] : memref<20480xf32, #tpu.memory_space<vmem_shared>> -> memref<20480xf32, #tpu.memory_space<vmem_shared>>
      tpu.enqueue_indirect_dma source(%arg7 : memref<125xf32, #tpu.memory_space<vmem>>) target(%dma_start3A_70 : memref<20480xf32, #tpu.memory_space<vmem_shared>>) offsets(%dma_start3A_68 : memref<125xi32, #tpu.memory_space<vmem>>) semaphore(%arg9 : memref<!tpu.dma_semaphore, #tpu.memory_space<semaphore_mem>>) {add = true}
    }
    %scan3A_16 = arith.constant 80 : i32
    %scan3A_17 = arith.constant 0 : i32
    %scan3A_18 = arith.constant 0 : i32
    %scan3A_19 = arith.constant 80 : i32
    %scan3A_20 = arith.addi %scan3A_18, %scan3A_19 : i32
    %scan3A_21 = arith.constant 1 : i32
    scf.for %scan3A_65 = %scan3A_18 to %scan3A_20 step %scan3A_21  : i32 {
      %dma_start3A = arith.constant 1 : i32
      %dma_start3A_66 = arith.constant 0 : i32
      %dma_start3A_67 = tpu.memref_slice %arg6[%dma_start3A, %scan3A_65, %dma_start3A_66] : memref<2x80x125xi32, #tpu.memory_space<vmem>> -> memref<1x1x125xi32, #tpu.memory_space<vmem>>
      %dma_start3A_68 = tpu.memref_squeeze %dma_start3A_67 : memref<1x1x125xi32, #tpu.memory_space<vmem>> -> memref<125xi32, #tpu.memory_space<vmem>>
      %dma_start3A_69 = arith.constant 0 : i32
      %dma_start3A_70 = tpu.memref_slice %arg8[%dma_start3A_69] : memref<20480xf32, #tpu.memory_space<vmem_shared>> -> memref<20480xf32, #tpu.memory_space<vmem_shared>>
      tpu.enqueue_indirect_dma source(%arg7 : memref<125xf32, #tpu.memory_space<vmem>>) target(%dma_start3A_70 : memref<20480xf32, #tpu.memory_space<vmem_shared>>) offsets(%dma_start3A_68 : memref<125xi32, #tpu.memory_space<vmem>>) semaphore(%arg9 : memref<!tpu.dma_semaphore, #tpu.memory_space<semaphore_mem>>) {add = true}
    }
    %scan3A_22 = arith.constant 80 : i32
    %scan3A_23 = arith.constant 0 : i32
    %scan3A_24 = arith.constant 0 : i32
    %scan3A_25 = arith.constant 160 : i32
    %scan3A_26 = arith.addi %scan3A_24, %scan3A_25 : i32
    %scan3A_27 = arith.constant 1 : i32
    scf.for %scan3A_65 = %scan3A_24 to %scan3A_26 step %scan3A_27  : i32 {
      %dma_wait3A = arith.constant 0 : i32
      %dma_wait3A_66 = arith.constant 0 : i32
      %dma_wait3A_67 = arith.constant 0 : i32
      %dma_wait3A_68 = tpu.memref_slice %arg6[%dma_wait3A, %dma_wait3A_66, %dma_wait3A_67] : memref<2x80x125xi32, #tpu.memory_space<vmem>> -> memref<1x1x125xi32, #tpu.memory_space<vmem>>
      %dma_wait3A_69 = tpu.memref_squeeze %dma_wait3A_68 : memref<1x1x125xi32, #tpu.memory_space<vmem>> -> memref<125xi32, #tpu.memory_space<vmem>>
      %dma_wait3A_70 = arith.constant 0 : i32
      %dma_wait3A_71 = tpu.memref_slice %arg8[%dma_wait3A_70] : memref<20480xf32, #tpu.memory_space<vmem_shared>> -> memref<20480xf32, #tpu.memory_space<vmem_shared>>
      tpu.wait_indirect_dma semaphore(%arg9 : memref<!tpu.dma_semaphore, #tpu.memory_space<semaphore_mem>>) src(%arg7 : memref<125xf32, #tpu.memory_space<vmem>>) dst(%dma_wait3A_71 : memref<20480xf32, #tpu.memory_space<vmem_shared>>)
    }
    %scan3A_28 = arith.constant 160 : i32
    %barrier3A_29 = arith.constant 0 : index
    tpu.barrier barrier_id(%barrier3A_29)
    %mul3A_30 = arith.constant 1280 : i32
    %mul3A_31 = arith.muli %arg1, %mul3A_30 : i32
    %jit3A = arith.constant 8 : i32
    %div3A = arith.divsi %arg1, %jit3A : i32
    %sign3A = arith.constant 0 : i32
    %sign3A_32 = arith.cmpi sgt, %arg1, %sign3A : i32
    %sign3A_33 = arith.extui %sign3A_32 : i1 to i32
    %sign3A_34 = arith.constant 0 : i32
    %sign3A_35 = arith.cmpi slt, %arg1, %sign3A_34 : i32
    %sign3A_36 = arith.extui %sign3A_35 : i1 to i32
    %sign3A_37 = arith.subi %sign3A_33, %sign3A_36 : i32
    %sign3A_38 = arith.constant 0 : i32
    %sign3A_39 = arith.cmpi sgt, %jit3A, %sign3A_38 : i32
    %sign3A_40 = arith.extui %sign3A_39 : i1 to i32
    %sign3A_41 = arith.constant 0 : i32
    %sign3A_42 = arith.cmpi slt, %jit3A, %sign3A_41 : i32
    %sign3A_43 = arith.extui %sign3A_42 : i1 to i32
    %sign3A_44 = arith.subi %sign3A_40, %sign3A_43 : i32
    %ne3A = arith.cmpi ne, %sign3A_37, %sign3A_44 : i32
    %rem3A = arith.remsi %arg1, %jit3A : i32
    %ne3A_45 = arith.constant 0 : i32
    %ne3A_46 = arith.cmpi ne, %rem3A, %ne3A_45 : i32
    %and3A = arith.andi %ne3A, %ne3A_46 : i1
    %sub3A = arith.constant 1 : i32
    %sub3A_47 = arith.subi %div3A, %sub3A : i32
    %select_n3A = arith.select %and3A, %sub3A_47, %div3A : i32
    %jit3A_48 = arith.constant 8 : i32
    %eq3A = arith.constant 0 : i32
    %eq3A_49 = arith.cmpi eq, %jit3A_48, %eq3A : i32
    %jit3A_50 = arith.constant 1 : i32
    %select_n3A_51 = arith.select %eq3A_49, %jit3A_50, %jit3A_48 : i32
    %rem3A_52 = arith.remsi %arg1, %select_n3A_51 : i32
    %ne3A_53 = arith.constant 0 : i32
    %ne3A_54 = arith.cmpi ne, %rem3A_52, %ne3A_53 : i32
    %lt3A = arith.constant 0 : i32
    %lt3A_55 = arith.cmpi slt, %rem3A_52, %lt3A : i32
    %lt3A_56 = arith.constant 0 : i32
    %lt3A_57 = arith.cmpi slt, %select_n3A_51, %lt3A_56 : i32
    %ne3A_58 = arith.xori %lt3A_55, %lt3A_57 : i1
    %and3A_59 = arith.andi %ne3A_58, %ne3A_54 : i1
    %add3A_60 = arith.addi %rem3A_52, %select_n3A_51 : i32
    %select_n3A_61 = arith.select %and3A_59, %add3A_60, %rem3A_52 : i32
    %mul3A_62 = arith.constant 1280 : i32
    %mul3A_63 = arith.muli %select_n3A_61, %mul3A_62 : i32
    %run_scoped3A_64 = arith.constant 0 : i32
    "tpu.region"() ({
      %run_scoped3A_65 = tpu.sem_alloc : memref<!tpu.dma_semaphore, #tpu.memory_space<semaphore_mem>>
      %dma_start3A = tpu.memref_slice %arg5[%arg0, %select_n3A, %run_scoped3A_64, %mul3A_63] : memref<2x2x1x10240xf32, #tpu.memory_space<hbm>> -> memref<1x1x1x1280xf32, #tpu.memory_space<hbm>>
      %dma_start3A_66 = tpu.memref_squeeze %dma_start3A : memref<1x1x1x1280xf32, #tpu.memory_space<hbm>> -> memref<1280xf32, #tpu.memory_space<hbm>>
      %dma_start3A_67 = tpu.memref_slice %arg8[%mul3A_31] : memref<20480xf32, #tpu.memory_space<vmem_shared>> -> memref<1280xf32, #tpu.memory_space<vmem_shared>>
      tpu.enqueue_dma source(%dma_start3A_67 : memref<1280xf32, #tpu.memory_space<vmem_shared>>) target(%dma_start3A_66 : memref<1280xf32, #tpu.memory_space<hbm>>) target_semaphore(%run_scoped3A_65 : memref<!tpu.dma_semaphore, #tpu.memory_space<semaphore_mem>>)
      %dma_wait3A = tpu.memref_slice %arg5[%arg0, %select_n3A, %run_scoped3A_64, %mul3A_63] : memref<2x2x1x10240xf32, #tpu.memory_space<hbm>> -> memref<1x1x1x1280xf32, #tpu.memory_space<hbm>>
      %dma_wait3A_68 = tpu.memref_squeeze %dma_wait3A : memref<1x1x1x1280xf32, #tpu.memory_space<hbm>> -> memref<1280xf32, #tpu.memory_space<hbm>>
      %dma_wait3A_69 = tpu.memref_slice %arg8[%mul3A_31] : memref<20480xf32, #tpu.memory_space<vmem_shared>> -> memref<1280xf32, #tpu.memory_space<vmem_shared>>
      tpu.wait_dma2 semaphore(%run_scoped3A_65 : memref<!tpu.dma_semaphore, #tpu.memory_space<semaphore_mem>>) src(%dma_wait3A_69 : memref<1280xf32, #tpu.memory_space<vmem_shared>>) dst(%dma_wait3A_68 : memref<1280xf32, #tpu.memory_space<hbm>>)
      tpu.yield
    }) : () -> ()
    return
  }
}

#map = affine_map<(d0, d1) -> (0, 0)>
#map1 = affine_map<(d0, d1) -> (0, 0, 0)>
module attributes {stable_mosaic.version = 14 : i64} {
  func.func @_sc_agg(%arg0: i32, %arg1: i32, %arg2: memref<10000x128xf32, #tpu.memory_space<hbm>>, %arg3: memref<2560x125xi32, #tpu.memory_space<hbm>>, %arg4: memref<2560x125xi32, #tpu.memory_space<hbm>>, %arg5: memref<10240x128xf32, #tpu.memory_space<hbm>>, %arg6: memref<2x10240x128xf32, #tpu.memory_space<hbm>>, %arg7: memref<40x125xi32, #tpu.memory_space<vmem>>, %arg8: memref<40x125xi32, #tpu.memory_space<vmem>>, %arg9: memref<125x128xf32, #tpu.memory_space<vmem>>, %arg10: memref<125x128xf32, #tpu.memory_space<vmem>>, %arg11: memref<10240x128xf32, #tpu.memory_space<vmem_shared>>, %arg12: memref<!tpu.dma_semaphore, #tpu.memory_space<semaphore_mem>>, %arg13: memref<!tpu.dma_semaphore, #tpu.memory_space<semaphore_mem>>) attributes {dimension_semantics = [#tpu.dimension_semantics<core_parallel>, #tpu.dimension_semantics<subcore_parallel>], iteration_bounds = array<i64: 2, 16>, scalar_prefetch = 0 : i64, scratch_operands = 7 : i64, tpu.core_type = #tpu.core_type<sc_vector_subcore>, window_params = [{transform_indices = #map}, {transform_indices = #map}, {transform_indices = #map}, {transform_indices = #map}, {transform_indices = #map1}]} {
    %mul3A = arith.constant 2 : i32
    %mul3A_0 = arith.muli %arg1, %mul3A : i32
    %add3A = arith.addi %mul3A_0, %arg0 : i32
    %mul3A_1 = arith.constant 640 : i32
    %mul3A_2 = arith.muli %arg1, %mul3A_1 : i32
    %mul3A_3 = arith.constant 640 : i32
    %mul3A_4 = arith.muli %arg1, %mul3A_3 : i32
    "tpu.region"() ({
      %run_scoped3A = tpu.sem_alloc : memref<!tpu.dma_semaphore, #tpu.memory_space<semaphore_mem>>
      %dma_start3A_42 = arith.constant 0 : i32
      %dma_start3A_43 = tpu.memref_slice %arg11[%mul3A_4, %dma_start3A_42] : memref<10240x128xf32, #tpu.memory_space<vmem_shared>> -> memref<640x128xf32, #tpu.memory_space<vmem_shared>>
      %dma_start3A_44 = arith.constant 0 : i32
      %dma_start3A_45 = tpu.memref_slice %arg5[%mul3A_2, %dma_start3A_44] : memref<10240x128xf32, #tpu.memory_space<hbm>> -> memref<640x128xf32, #tpu.memory_space<hbm>>
      tpu.enqueue_dma source(%dma_start3A_45 : memref<640x128xf32, #tpu.memory_space<hbm>>) target(%dma_start3A_43 : memref<640x128xf32, #tpu.memory_space<vmem_shared>>) target_semaphore(%run_scoped3A : memref<!tpu.dma_semaphore, #tpu.memory_space<semaphore_mem>>)
      %dma_wait3A = arith.constant 0 : i32
      %dma_wait3A_46 = tpu.memref_slice %arg11[%mul3A_4, %dma_wait3A] : memref<10240x128xf32, #tpu.memory_space<vmem_shared>> -> memref<640x128xf32, #tpu.memory_space<vmem_shared>>
      %dma_wait3A_47 = arith.constant 0 : i32
      %dma_wait3A_48 = tpu.memref_slice %arg5[%mul3A_2, %dma_wait3A_47] : memref<10240x128xf32, #tpu.memory_space<hbm>> -> memref<640x128xf32, #tpu.memory_space<hbm>>
      tpu.wait_dma2 semaphore(%run_scoped3A : memref<!tpu.dma_semaphore, #tpu.memory_space<semaphore_mem>>) src(%dma_wait3A_48 : memref<640x128xf32, #tpu.memory_space<hbm>>) dst(%dma_wait3A_46 : memref<640x128xf32, #tpu.memory_space<vmem_shared>>)
      tpu.yield
    }) : () -> ()
    %barrier3A = arith.constant 0 : index
    tpu.barrier barrier_id(%barrier3A)
    %mul3A_5 = arith.constant 80 : i32
    %mul3A_6 = arith.muli %add3A, %mul3A_5 : i32
    %add3A_7 = arith.constant 0 : i32
    %add3A_8 = arith.addi %mul3A_6, %add3A_7 : i32
    "tpu.region"() ({
      %run_scoped3A = tpu.sem_alloc : memref<!tpu.dma_semaphore, #tpu.memory_space<semaphore_mem>>
      %dma_start3A_42 = arith.constant 0 : i32
      %dma_start3A_43 = tpu.memref_slice %arg3[%add3A_8, %dma_start3A_42] : memref<2560x125xi32, #tpu.memory_space<hbm>> -> memref<40x125xi32, #tpu.memory_space<hbm>>
      %dma_start3A_44 = arith.constant 0 : i32
      %dma_start3A_45 = tpu.memref_slice %arg3[%add3A_8, %dma_start3A_44] : memref<2560x125xi32, #tpu.memory_space<hbm>> -> memref<40x125xi32, #tpu.memory_space<hbm>>
      tpu.enqueue_dma source(%dma_start3A_45 : memref<40x125xi32, #tpu.memory_space<hbm>>) target(%arg7 : memref<40x125xi32, #tpu.memory_space<vmem>>) target_semaphore(%run_scoped3A : memref<!tpu.dma_semaphore, #tpu.memory_space<semaphore_mem>>)
      %dma_wait3A = arith.constant 0 : i32
      %dma_wait3A_46 = tpu.memref_slice %arg3[%add3A_8, %dma_wait3A] : memref<2560x125xi32, #tpu.memory_space<hbm>> -> memref<40x125xi32, #tpu.memory_space<hbm>>
      %dma_wait3A_47 = arith.constant 0 : i32
      %dma_wait3A_48 = tpu.memref_slice %arg3[%add3A_8, %dma_wait3A_47] : memref<2560x125xi32, #tpu.memory_space<hbm>> -> memref<40x125xi32, #tpu.memory_space<hbm>>
      tpu.wait_dma2 semaphore(%run_scoped3A : memref<!tpu.dma_semaphore, #tpu.memory_space<semaphore_mem>>) src(%dma_wait3A_48 : memref<40x125xi32, #tpu.memory_space<hbm>>) dst(%arg7 : memref<40x125xi32, #tpu.memory_space<vmem>>)
      tpu.yield
    }) : () -> ()
    "tpu.region"() ({
      %run_scoped3A = tpu.sem_alloc : memref<!tpu.dma_semaphore, #tpu.memory_space<semaphore_mem>>
      %dma_start3A_42 = arith.constant 0 : i32
      %dma_start3A_43 = tpu.memref_slice %arg4[%add3A_8, %dma_start3A_42] : memref<2560x125xi32, #tpu.memory_space<hbm>> -> memref<40x125xi32, #tpu.memory_space<hbm>>
      %dma_start3A_44 = arith.constant 0 : i32
      %dma_start3A_45 = tpu.memref_slice %arg4[%add3A_8, %dma_start3A_44] : memref<2560x125xi32, #tpu.memory_space<hbm>> -> memref<40x125xi32, #tpu.memory_space<hbm>>
      tpu.enqueue_dma source(%dma_start3A_45 : memref<40x125xi32, #tpu.memory_space<hbm>>) target(%arg8 : memref<40x125xi32, #tpu.memory_space<vmem>>) target_semaphore(%run_scoped3A : memref<!tpu.dma_semaphore, #tpu.memory_space<semaphore_mem>>)
      %dma_wait3A = arith.constant 0 : i32
      %dma_wait3A_46 = tpu.memref_slice %arg4[%add3A_8, %dma_wait3A] : memref<2560x125xi32, #tpu.memory_space<hbm>> -> memref<40x125xi32, #tpu.memory_space<hbm>>
      %dma_wait3A_47 = arith.constant 0 : i32
      %dma_wait3A_48 = tpu.memref_slice %arg4[%add3A_8, %dma_wait3A_47] : memref<2560x125xi32, #tpu.memory_space<hbm>> -> memref<40x125xi32, #tpu.memory_space<hbm>>
      tpu.wait_dma2 semaphore(%run_scoped3A : memref<!tpu.dma_semaphore, #tpu.memory_space<semaphore_mem>>) src(%dma_wait3A_48 : memref<40x125xi32, #tpu.memory_space<hbm>>) dst(%arg8 : memref<40x125xi32, #tpu.memory_space<vmem>>)
      tpu.yield
    }) : () -> ()
    %dma_start3A = arith.constant 0 : i32
    %dma_start3A_9 = arith.constant 0 : i32
    %dma_start3A_10 = tpu.memref_slice %arg7[%dma_start3A, %dma_start3A_9] : memref<40x125xi32, #tpu.memory_space<vmem>> -> memref<1x125xi32, #tpu.memory_space<vmem>>
    %dma_start3A_11 = tpu.memref_squeeze %dma_start3A_10 : memref<1x125xi32, #tpu.memory_space<vmem>> -> memref<125xi32, #tpu.memory_space<vmem>>
    %dma_start3A_12 = arith.constant 0 : i32
    %dma_start3A_13 = arith.constant 0 : i32
    %dma_start3A_14 = tpu.memref_slice %arg2[%dma_start3A_12, %dma_start3A_13] : memref<10000x128xf32, #tpu.memory_space<hbm>> -> memref<10000x128xf32, #tpu.memory_space<hbm>>
    tpu.enqueue_indirect_dma source(%dma_start3A_14 : memref<10000x128xf32, #tpu.memory_space<hbm>>) target(%arg9 : memref<125x128xf32, #tpu.memory_space<vmem>>) offsets(%dma_start3A_11 : memref<125xi32, #tpu.memory_space<vmem>>) semaphore(%arg12 : memref<!tpu.dma_semaphore, #tpu.memory_space<semaphore_mem>>)
    %scan3A = arith.constant 0 : i32
    %scan3A_15 = arith.constant 0 : i32
    %scan3A_16 = arith.constant 20 : i32
    %scan3A_17 = arith.addi %scan3A_15, %scan3A_16 : i32
    %scan3A_18 = arith.constant 1 : i32
    scf.for %scan3A_42 = %scan3A_15 to %scan3A_17 step %scan3A_18  : i32 {
      %mul3A_43 = arith.constant 2 : i32
      %mul3A_44 = arith.muli %scan3A_42, %mul3A_43 : i32
      %dma_wait3A = arith.constant 0 : i32
      %dma_wait3A_45 = tpu.memref_slice %arg7[%mul3A_44, %dma_wait3A] : memref<40x125xi32, #tpu.memory_space<vmem>> -> memref<1x125xi32, #tpu.memory_space<vmem>>
      %dma_wait3A_46 = tpu.memref_squeeze %dma_wait3A_45 : memref<1x125xi32, #tpu.memory_space<vmem>> -> memref<125xi32, #tpu.memory_space<vmem>>
      %dma_wait3A_47 = arith.constant 0 : i32
      %dma_wait3A_48 = arith.constant 0 : i32
      %dma_wait3A_49 = tpu.memref_slice %arg2[%dma_wait3A_47, %dma_wait3A_48] : memref<10000x128xf32, #tpu.memory_space<hbm>> -> memref<10000x128xf32, #tpu.memory_space<hbm>>
      tpu.wait_indirect_dma semaphore(%arg12 : memref<!tpu.dma_semaphore, #tpu.memory_space<semaphore_mem>>) src(%dma_wait3A_49 : memref<10000x128xf32, #tpu.memory_space<hbm>>) dst(%arg9 : memref<125x128xf32, #tpu.memory_space<vmem>>)
      %add3A_50 = arith.constant 1 : i32
      %add3A_51 = arith.addi %mul3A_44, %add3A_50 : i32
      %dma_start3A_52 = arith.constant 0 : i32
      %dma_start3A_53 = tpu.memref_slice %arg7[%add3A_51, %dma_start3A_52] : memref<40x125xi32, #tpu.memory_space<vmem>> -> memref<1x125xi32, #tpu.memory_space<vmem>>
      %dma_start3A_54 = tpu.memref_squeeze %dma_start3A_53 : memref<1x125xi32, #tpu.memory_space<vmem>> -> memref<125xi32, #tpu.memory_space<vmem>>
      %dma_start3A_55 = arith.constant 0 : i32
      %dma_start3A_56 = arith.constant 0 : i32
      %dma_start3A_57 = tpu.memref_slice %arg2[%dma_start3A_55, %dma_start3A_56] : memref<10000x128xf32, #tpu.memory_space<hbm>> -> memref<10000x128xf32, #tpu.memory_space<hbm>>
      tpu.enqueue_indirect_dma source(%dma_start3A_57 : memref<10000x128xf32, #tpu.memory_space<hbm>>) target(%arg10 : memref<125x128xf32, #tpu.memory_space<vmem>>) offsets(%dma_start3A_54 : memref<125xi32, #tpu.memory_space<vmem>>) semaphore(%arg13 : memref<!tpu.dma_semaphore, #tpu.memory_space<semaphore_mem>>)
      "tpu.region"() ({
        %run_scoped3A = tpu.sem_alloc : memref<!tpu.dma_semaphore, #tpu.memory_space<semaphore_mem>>
        %dma_start3A_70 = arith.constant 0 : i32
        %dma_start3A_71 = tpu.memref_slice %arg8[%mul3A_44, %dma_start3A_70] : memref<40x125xi32, #tpu.memory_space<vmem>> -> memref<1x125xi32, #tpu.memory_space<vmem>>
        %dma_start3A_72 = tpu.memref_squeeze %dma_start3A_71 : memref<1x125xi32, #tpu.memory_space<vmem>> -> memref<125xi32, #tpu.memory_space<vmem>>
        %dma_start3A_73 = arith.constant 0 : i32
        %dma_start3A_74 = arith.constant 0 : i32
        %dma_start3A_75 = tpu.memref_slice %arg11[%dma_start3A_73, %dma_start3A_74] : memref<10240x128xf32, #tpu.memory_space<vmem_shared>> -> memref<10240x128xf32, #tpu.memory_space<vmem_shared>>
        tpu.enqueue_indirect_dma source(%arg9 : memref<125x128xf32, #tpu.memory_space<vmem>>) target(%dma_start3A_75 : memref<10240x128xf32, #tpu.memory_space<vmem_shared>>) offsets(%dma_start3A_72 : memref<125xi32, #tpu.memory_space<vmem>>) semaphore(%run_scoped3A : memref<!tpu.dma_semaphore, #tpu.memory_space<semaphore_mem>>) {add = true}
        %dma_wait3A_76 = arith.constant 0 : i32
        %dma_wait3A_77 = tpu.memref_slice %arg8[%mul3A_44, %dma_wait3A_76] : memref<40x125xi32, #tpu.memory_space<vmem>> -> memref<1x125xi32, #tpu.memory_space<vmem>>
        %dma_wait3A_78 = tpu.memref_squeeze %dma_wait3A_77 : memref<1x125xi32, #tpu.memory_space<vmem>> -> memref<125xi32, #tpu.memory_space<vmem>>
        %dma_wait3A_79 = arith.constant 0 : i32
        %dma_wait3A_80 = arith.constant 0 : i32
        %dma_wait3A_81 = tpu.memref_slice %arg11[%dma_wait3A_79, %dma_wait3A_80] : memref<10240x128xf32, #tpu.memory_space<vmem_shared>> -> memref<10240x128xf32, #tpu.memory_space<vmem_shared>>
        tpu.wait_indirect_dma semaphore(%run_scoped3A : memref<!tpu.dma_semaphore, #tpu.memory_space<semaphore_mem>>) src(%arg9 : memref<125x128xf32, #tpu.memory_space<vmem>>) dst(%dma_wait3A_81 : memref<10240x128xf32, #tpu.memory_space<vmem_shared>>)
        tpu.yield
      }) : () -> ()
      %add3A_58 = arith.constant 1 : i32
      %add3A_59 = arith.addi %mul3A_44, %add3A_58 : i32
      %dma_wait3A_60 = arith.constant 0 : i32
      %dma_wait3A_61 = tpu.memref_slice %arg7[%add3A_59, %dma_wait3A_60] : memref<40x125xi32, #tpu.memory_space<vmem>> -> memref<1x125xi32, #tpu.memory_space<vmem>>
      %dma_wait3A_62 = tpu.memref_squeeze %dma_wait3A_61 : memref<1x125xi32, #tpu.memory_space<vmem>> -> memref<125xi32, #tpu.memory_space<vmem>>
      %dma_wait3A_63 = arith.constant 0 : i32
      %dma_wait3A_64 = arith.constant 0 : i32
      %dma_wait3A_65 = tpu.memref_slice %arg2[%dma_wait3A_63, %dma_wait3A_64] : memref<10000x128xf32, #tpu.memory_space<hbm>> -> memref<10000x128xf32, #tpu.memory_space<hbm>>
      tpu.wait_indirect_dma semaphore(%arg13 : memref<!tpu.dma_semaphore, #tpu.memory_space<semaphore_mem>>) src(%dma_wait3A_65 : memref<10000x128xf32, #tpu.memory_space<hbm>>) dst(%arg10 : memref<125x128xf32, #tpu.memory_space<vmem>>)
      %lt3A = arith.constant 19 : i32
      %lt3A_66 = arith.cmpi slt, %scan3A_42, %lt3A : i32
      %convert_element_type3A = arith.extui %lt3A_66 : i1 to i32
      %cond3A = arith.constant 0 : i32
      %cond3A_67 = arith.cmpi ne, %convert_element_type3A, %cond3A : i32
      scf.if %cond3A_67 {
        %add3A_70 = arith.constant 2 : i32
        %add3A_71 = arith.addi %mul3A_44, %add3A_70 : i32
        %dma_start3A_72 = arith.constant 0 : i32
        %dma_start3A_73 = tpu.memref_slice %arg7[%add3A_71, %dma_start3A_72] : memref<40x125xi32, #tpu.memory_space<vmem>> -> memref<1x125xi32, #tpu.memory_space<vmem>>
        %dma_start3A_74 = tpu.memref_squeeze %dma_start3A_73 : memref<1x125xi32, #tpu.memory_space<vmem>> -> memref<125xi32, #tpu.memory_space<vmem>>
        %dma_start3A_75 = arith.constant 0 : i32
        %dma_start3A_76 = arith.constant 0 : i32
        %dma_start3A_77 = tpu.memref_slice %arg2[%dma_start3A_75, %dma_start3A_76] : memref<10000x128xf32, #tpu.memory_space<hbm>> -> memref<10000x128xf32, #tpu.memory_space<hbm>>
        tpu.enqueue_indirect_dma source(%dma_start3A_77 : memref<10000x128xf32, #tpu.memory_space<hbm>>) target(%arg9 : memref<125x128xf32, #tpu.memory_space<vmem>>) offsets(%dma_start3A_74 : memref<125xi32, #tpu.memory_space<vmem>>) semaphore(%arg12 : memref<!tpu.dma_semaphore, #tpu.memory_space<semaphore_mem>>)
      } else {
      }
      %add3A_68 = arith.constant 1 : i32
      %add3A_69 = arith.addi %mul3A_44, %add3A_68 : i32
      "tpu.region"() ({
        %run_scoped3A = tpu.sem_alloc : memref<!tpu.dma_semaphore, #tpu.memory_space<semaphore_mem>>
        %dma_start3A_70 = arith.constant 0 : i32
        %dma_start3A_71 = tpu.memref_slice %arg8[%add3A_69, %dma_start3A_70] : memref<40x125xi32, #tpu.memory_space<vmem>> -> memref<1x125xi32, #tpu.memory_space<vmem>>
        %dma_start3A_72 = tpu.memref_squeeze %dma_start3A_71 : memref<1x125xi32, #tpu.memory_space<vmem>> -> memref<125xi32, #tpu.memory_space<vmem>>
        %dma_start3A_73 = arith.constant 0 : i32
        %dma_start3A_74 = arith.constant 0 : i32
        %dma_start3A_75 = tpu.memref_slice %arg11[%dma_start3A_73, %dma_start3A_74] : memref<10240x128xf32, #tpu.memory_space<vmem_shared>> -> memref<10240x128xf32, #tpu.memory_space<vmem_shared>>
        tpu.enqueue_indirect_dma source(%arg10 : memref<125x128xf32, #tpu.memory_space<vmem>>) target(%dma_start3A_75 : memref<10240x128xf32, #tpu.memory_space<vmem_shared>>) offsets(%dma_start3A_72 : memref<125xi32, #tpu.memory_space<vmem>>) semaphore(%run_scoped3A : memref<!tpu.dma_semaphore, #tpu.memory_space<semaphore_mem>>) {add = true}
        %dma_wait3A_76 = arith.constant 0 : i32
        %dma_wait3A_77 = tpu.memref_slice %arg8[%add3A_69, %dma_wait3A_76] : memref<40x125xi32, #tpu.memory_space<vmem>> -> memref<1x125xi32, #tpu.memory_space<vmem>>
        %dma_wait3A_78 = tpu.memref_squeeze %dma_wait3A_77 : memref<1x125xi32, #tpu.memory_space<vmem>> -> memref<125xi32, #tpu.memory_space<vmem>>
        %dma_wait3A_79 = arith.constant 0 : i32
        %dma_wait3A_80 = arith.constant 0 : i32
        %dma_wait3A_81 = tpu.memref_slice %arg11[%dma_wait3A_79, %dma_wait3A_80] : memref<10240x128xf32, #tpu.memory_space<vmem_shared>> -> memref<10240x128xf32, #tpu.memory_space<vmem_shared>>
        tpu.wait_indirect_dma semaphore(%run_scoped3A : memref<!tpu.dma_semaphore, #tpu.memory_space<semaphore_mem>>) src(%arg10 : memref<125x128xf32, #tpu.memory_space<vmem>>) dst(%dma_wait3A_81 : memref<10240x128xf32, #tpu.memory_space<vmem_shared>>)
        tpu.yield
      }) : () -> ()
    }
    %scan3A_19 = arith.constant 20 : i32
    %mul3A_20 = arith.constant 80 : i32
    %mul3A_21 = arith.muli %add3A, %mul3A_20 : i32
    %add3A_22 = arith.constant 40 : i32
    %add3A_23 = arith.addi %mul3A_21, %add3A_22 : i32
    "tpu.region"() ({
      %run_scoped3A = tpu.sem_alloc : memref<!tpu.dma_semaphore, #tpu.memory_space<semaphore_mem>>
      %dma_start3A_42 = arith.constant 0 : i32
      %dma_start3A_43 = tpu.memref_slice %arg3[%add3A_23, %dma_start3A_42] : memref<2560x125xi32, #tpu.memory_space<hbm>> -> memref<40x125xi32, #tpu.memory_space<hbm>>
      %dma_start3A_44 = arith.constant 0 : i32
      %dma_start3A_45 = tpu.memref_slice %arg3[%add3A_23, %dma_start3A_44] : memref<2560x125xi32, #tpu.memory_space<hbm>> -> memref<40x125xi32, #tpu.memory_space<hbm>>
      tpu.enqueue_dma source(%dma_start3A_45 : memref<40x125xi32, #tpu.memory_space<hbm>>) target(%arg7 : memref<40x125xi32, #tpu.memory_space<vmem>>) target_semaphore(%run_scoped3A : memref<!tpu.dma_semaphore, #tpu.memory_space<semaphore_mem>>)
      %dma_wait3A = arith.constant 0 : i32
      %dma_wait3A_46 = tpu.memref_slice %arg3[%add3A_23, %dma_wait3A] : memref<2560x125xi32, #tpu.memory_space<hbm>> -> memref<40x125xi32, #tpu.memory_space<hbm>>
      %dma_wait3A_47 = arith.constant 0 : i32
      %dma_wait3A_48 = tpu.memref_slice %arg3[%add3A_23, %dma_wait3A_47] : memref<2560x125xi32, #tpu.memory_space<hbm>> -> memref<40x125xi32, #tpu.memory_space<hbm>>
      tpu.wait_dma2 semaphore(%run_scoped3A : memref<!tpu.dma_semaphore, #tpu.memory_space<semaphore_mem>>) src(%dma_wait3A_48 : memref<40x125xi32, #tpu.memory_space<hbm>>) dst(%arg7 : memref<40x125xi32, #tpu.memory_space<vmem>>)
      tpu.yield
    }) : () -> ()
    "tpu.region"() ({
      %run_scoped3A = tpu.sem_alloc : memref<!tpu.dma_semaphore, #tpu.memory_space<semaphore_mem>>
      %dma_start3A_42 = arith.constant 0 : i32
      %dma_start3A_43 = tpu.memref_slice %arg4[%add3A_23, %dma_start3A_42] : memref<2560x125xi32, #tpu.memory_space<hbm>> -> memref<40x125xi32, #tpu.memory_space<hbm>>
      %dma_start3A_44 = arith.constant 0 : i32
      %dma_start3A_45 = tpu.memref_slice %arg4[%add3A_23, %dma_start3A_44] : memref<2560x125xi32, #tpu.memory_space<hbm>> -> memref<40x125xi32, #tpu.memory_space<hbm>>
      tpu.enqueue_dma source(%dma_start3A_45 : memref<40x125xi32, #tpu.memory_space<hbm>>) target(%arg8 : memref<40x125xi32, #tpu.memory_space<vmem>>) target_semaphore(%run_scoped3A : memref<!tpu.dma_semaphore, #tpu.memory_space<semaphore_mem>>)
      %dma_wait3A = arith.constant 0 : i32
      %dma_wait3A_46 = tpu.memref_slice %arg4[%add3A_23, %dma_wait3A] : memref<2560x125xi32, #tpu.memory_space<hbm>> -> memref<40x125xi32, #tpu.memory_space<hbm>>
      %dma_wait3A_47 = arith.constant 0 : i32
      %dma_wait3A_48 = tpu.memref_slice %arg4[%add3A_23, %dma_wait3A_47] : memref<2560x125xi32, #tpu.memory_space<hbm>> -> memref<40x125xi32, #tpu.memory_space<hbm>>
      tpu.wait_dma2 semaphore(%run_scoped3A : memref<!tpu.dma_semaphore, #tpu.memory_space<semaphore_mem>>) src(%dma_wait3A_48 : memref<40x125xi32, #tpu.memory_space<hbm>>) dst(%arg8 : memref<40x125xi32, #tpu.memory_space<vmem>>)
      tpu.yield
    }) : () -> ()
    %dma_start3A_24 = arith.constant 0 : i32
    %dma_start3A_25 = arith.constant 0 : i32
    %dma_start3A_26 = tpu.memref_slice %arg7[%dma_start3A_24, %dma_start3A_25] : memref<40x125xi32, #tpu.memory_space<vmem>> -> memref<1x125xi32, #tpu.memory_space<vmem>>
    %dma_start3A_27 = tpu.memref_squeeze %dma_start3A_26 : memref<1x125xi32, #tpu.memory_space<vmem>> -> memref<125xi32, #tpu.memory_space<vmem>>
    %dma_start3A_28 = arith.constant 0 : i32
    %dma_start3A_29 = arith.constant 0 : i32
    %dma_start3A_30 = tpu.memref_slice %arg2[%dma_start3A_28, %dma_start3A_29] : memref<10000x128xf32, #tpu.memory_space<hbm>> -> memref<10000x128xf32, #tpu.memory_space<hbm>>
    tpu.enqueue_indirect_dma source(%dma_start3A_30 : memref<10000x128xf32, #tpu.memory_space<hbm>>) target(%arg9 : memref<125x128xf32, #tpu.memory_space<vmem>>) offsets(%dma_start3A_27 : memref<125xi32, #tpu.memory_space<vmem>>) semaphore(%arg12 : memref<!tpu.dma_semaphore, #tpu.memory_space<semaphore_mem>>)
    %scan3A_31 = arith.constant 0 : i32
    %scan3A_32 = arith.constant 0 : i32
    %scan3A_33 = arith.constant 20 : i32
    %scan3A_34 = arith.addi %scan3A_32, %scan3A_33 : i32
    %scan3A_35 = arith.constant 1 : i32
    scf.for %scan3A_42 = %scan3A_32 to %scan3A_34 step %scan3A_35  : i32 {
      %mul3A_43 = arith.constant 2 : i32
      %mul3A_44 = arith.muli %scan3A_42, %mul3A_43 : i32
      %dma_wait3A = arith.constant 0 : i32
      %dma_wait3A_45 = tpu.memref_slice %arg7[%mul3A_44, %dma_wait3A] : memref<40x125xi32, #tpu.memory_space<vmem>> -> memref<1x125xi32, #tpu.memory_space<vmem>>
      %dma_wait3A_46 = tpu.memref_squeeze %dma_wait3A_45 : memref<1x125xi32, #tpu.memory_space<vmem>> -> memref<125xi32, #tpu.memory_space<vmem>>
      %dma_wait3A_47 = arith.constant 0 : i32
      %dma_wait3A_48 = arith.constant 0 : i32
      %dma_wait3A_49 = tpu.memref_slice %arg2[%dma_wait3A_47, %dma_wait3A_48] : memref<10000x128xf32, #tpu.memory_space<hbm>> -> memref<10000x128xf32, #tpu.memory_space<hbm>>
      tpu.wait_indirect_dma semaphore(%arg12 : memref<!tpu.dma_semaphore, #tpu.memory_space<semaphore_mem>>) src(%dma_wait3A_49 : memref<10000x128xf32, #tpu.memory_space<hbm>>) dst(%arg9 : memref<125x128xf32, #tpu.memory_space<vmem>>)
      %add3A_50 = arith.constant 1 : i32
      %add3A_51 = arith.addi %mul3A_44, %add3A_50 : i32
      %dma_start3A_52 = arith.constant 0 : i32
      %dma_start3A_53 = tpu.memref_slice %arg7[%add3A_51, %dma_start3A_52] : memref<40x125xi32, #tpu.memory_space<vmem>> -> memref<1x125xi32, #tpu.memory_space<vmem>>
      %dma_start3A_54 = tpu.memref_squeeze %dma_start3A_53 : memref<1x125xi32, #tpu.memory_space<vmem>> -> memref<125xi32, #tpu.memory_space<vmem>>
      %dma_start3A_55 = arith.constant 0 : i32
      %dma_start3A_56 = arith.constant 0 : i32
      %dma_start3A_57 = tpu.memref_slice %arg2[%dma_start3A_55, %dma_start3A_56] : memref<10000x128xf32, #tpu.memory_space<hbm>> -> memref<10000x128xf32, #tpu.memory_space<hbm>>
      tpu.enqueue_indirect_dma source(%dma_start3A_57 : memref<10000x128xf32, #tpu.memory_space<hbm>>) target(%arg10 : memref<125x128xf32, #tpu.memory_space<vmem>>) offsets(%dma_start3A_54 : memref<125xi32, #tpu.memory_space<vmem>>) semaphore(%arg13 : memref<!tpu.dma_semaphore, #tpu.memory_space<semaphore_mem>>)
      "tpu.region"() ({
        %run_scoped3A = tpu.sem_alloc : memref<!tpu.dma_semaphore, #tpu.memory_space<semaphore_mem>>
        %dma_start3A_70 = arith.constant 0 : i32
        %dma_start3A_71 = tpu.memref_slice %arg8[%mul3A_44, %dma_start3A_70] : memref<40x125xi32, #tpu.memory_space<vmem>> -> memref<1x125xi32, #tpu.memory_space<vmem>>
        %dma_start3A_72 = tpu.memref_squeeze %dma_start3A_71 : memref<1x125xi32, #tpu.memory_space<vmem>> -> memref<125xi32, #tpu.memory_space<vmem>>
        %dma_start3A_73 = arith.constant 0 : i32
        %dma_start3A_74 = arith.constant 0 : i32
        %dma_start3A_75 = tpu.memref_slice %arg11[%dma_start3A_73, %dma_start3A_74] : memref<10240x128xf32, #tpu.memory_space<vmem_shared>> -> memref<10240x128xf32, #tpu.memory_space<vmem_shared>>
        tpu.enqueue_indirect_dma source(%arg9 : memref<125x128xf32, #tpu.memory_space<vmem>>) target(%dma_start3A_75 : memref<10240x128xf32, #tpu.memory_space<vmem_shared>>) offsets(%dma_start3A_72 : memref<125xi32, #tpu.memory_space<vmem>>) semaphore(%run_scoped3A : memref<!tpu.dma_semaphore, #tpu.memory_space<semaphore_mem>>) {add = true}
        %dma_wait3A_76 = arith.constant 0 : i32
        %dma_wait3A_77 = tpu.memref_slice %arg8[%mul3A_44, %dma_wait3A_76] : memref<40x125xi32, #tpu.memory_space<vmem>> -> memref<1x125xi32, #tpu.memory_space<vmem>>
        %dma_wait3A_78 = tpu.memref_squeeze %dma_wait3A_77 : memref<1x125xi32, #tpu.memory_space<vmem>> -> memref<125xi32, #tpu.memory_space<vmem>>
        %dma_wait3A_79 = arith.constant 0 : i32
        %dma_wait3A_80 = arith.constant 0 : i32
        %dma_wait3A_81 = tpu.memref_slice %arg11[%dma_wait3A_79, %dma_wait3A_80] : memref<10240x128xf32, #tpu.memory_space<vmem_shared>> -> memref<10240x128xf32, #tpu.memory_space<vmem_shared>>
        tpu.wait_indirect_dma semaphore(%run_scoped3A : memref<!tpu.dma_semaphore, #tpu.memory_space<semaphore_mem>>) src(%arg9 : memref<125x128xf32, #tpu.memory_space<vmem>>) dst(%dma_wait3A_81 : memref<10240x128xf32, #tpu.memory_space<vmem_shared>>)
        tpu.yield
      }) : () -> ()
      %add3A_58 = arith.constant 1 : i32
      %add3A_59 = arith.addi %mul3A_44, %add3A_58 : i32
      %dma_wait3A_60 = arith.constant 0 : i32
      %dma_wait3A_61 = tpu.memref_slice %arg7[%add3A_59, %dma_wait3A_60] : memref<40x125xi32, #tpu.memory_space<vmem>> -> memref<1x125xi32, #tpu.memory_space<vmem>>
      %dma_wait3A_62 = tpu.memref_squeeze %dma_wait3A_61 : memref<1x125xi32, #tpu.memory_space<vmem>> -> memref<125xi32, #tpu.memory_space<vmem>>
      %dma_wait3A_63 = arith.constant 0 : i32
      %dma_wait3A_64 = arith.constant 0 : i32
      %dma_wait3A_65 = tpu.memref_slice %arg2[%dma_wait3A_63, %dma_wait3A_64] : memref<10000x128xf32, #tpu.memory_space<hbm>> -> memref<10000x128xf32, #tpu.memory_space<hbm>>
      tpu.wait_indirect_dma semaphore(%arg13 : memref<!tpu.dma_semaphore, #tpu.memory_space<semaphore_mem>>) src(%dma_wait3A_65 : memref<10000x128xf32, #tpu.memory_space<hbm>>) dst(%arg10 : memref<125x128xf32, #tpu.memory_space<vmem>>)
      %lt3A = arith.constant 19 : i32
      %lt3A_66 = arith.cmpi slt, %scan3A_42, %lt3A : i32
      %convert_element_type3A = arith.extui %lt3A_66 : i1 to i32
      %cond3A = arith.constant 0 : i32
      %cond3A_67 = arith.cmpi ne, %convert_element_type3A, %cond3A : i32
      scf.if %cond3A_67 {
        %add3A_70 = arith.constant 2 : i32
        %add3A_71 = arith.addi %mul3A_44, %add3A_70 : i32
        %dma_start3A_72 = arith.constant 0 : i32
        %dma_start3A_73 = tpu.memref_slice %arg7[%add3A_71, %dma_start3A_72] : memref<40x125xi32, #tpu.memory_space<vmem>> -> memref<1x125xi32, #tpu.memory_space<vmem>>
        %dma_start3A_74 = tpu.memref_squeeze %dma_start3A_73 : memref<1x125xi32, #tpu.memory_space<vmem>> -> memref<125xi32, #tpu.memory_space<vmem>>
        %dma_start3A_75 = arith.constant 0 : i32
        %dma_start3A_76 = arith.constant 0 : i32
        %dma_start3A_77 = tpu.memref_slice %arg2[%dma_start3A_75, %dma_start3A_76] : memref<10000x128xf32, #tpu.memory_space<hbm>> -> memref<10000x128xf32, #tpu.memory_space<hbm>>
        tpu.enqueue_indirect_dma source(%dma_start3A_77 : memref<10000x128xf32, #tpu.memory_space<hbm>>) target(%arg9 : memref<125x128xf32, #tpu.memory_space<vmem>>) offsets(%dma_start3A_74 : memref<125xi32, #tpu.memory_space<vmem>>) semaphore(%arg12 : memref<!tpu.dma_semaphore, #tpu.memory_space<semaphore_mem>>)
      } else {
      }
      %add3A_68 = arith.constant 1 : i32
      %add3A_69 = arith.addi %mul3A_44, %add3A_68 : i32
      "tpu.region"() ({
        %run_scoped3A = tpu.sem_alloc : memref<!tpu.dma_semaphore, #tpu.memory_space<semaphore_mem>>
        %dma_start3A_70 = arith.constant 0 : i32
        %dma_start3A_71 = tpu.memref_slice %arg8[%add3A_69, %dma_start3A_70] : memref<40x125xi32, #tpu.memory_space<vmem>> -> memref<1x125xi32, #tpu.memory_space<vmem>>
        %dma_start3A_72 = tpu.memref_squeeze %dma_start3A_71 : memref<1x125xi32, #tpu.memory_space<vmem>> -> memref<125xi32, #tpu.memory_space<vmem>>
        %dma_start3A_73 = arith.constant 0 : i32
        %dma_start3A_74 = arith.constant 0 : i32
        %dma_start3A_75 = tpu.memref_slice %arg11[%dma_start3A_73, %dma_start3A_74] : memref<10240x128xf32, #tpu.memory_space<vmem_shared>> -> memref<10240x128xf32, #tpu.memory_space<vmem_shared>>
        tpu.enqueue_indirect_dma source(%arg10 : memref<125x128xf32, #tpu.memory_space<vmem>>) target(%dma_start3A_75 : memref<10240x128xf32, #tpu.memory_space<vmem_shared>>) offsets(%dma_start3A_72 : memref<125xi32, #tpu.memory_space<vmem>>) semaphore(%run_scoped3A : memref<!tpu.dma_semaphore, #tpu.memory_space<semaphore_mem>>) {add = true}
        %dma_wait3A_76 = arith.constant 0 : i32
        %dma_wait3A_77 = tpu.memref_slice %arg8[%add3A_69, %dma_wait3A_76] : memref<40x125xi32, #tpu.memory_space<vmem>> -> memref<1x125xi32, #tpu.memory_space<vmem>>
        %dma_wait3A_78 = tpu.memref_squeeze %dma_wait3A_77 : memref<1x125xi32, #tpu.memory_space<vmem>> -> memref<125xi32, #tpu.memory_space<vmem>>
        %dma_wait3A_79 = arith.constant 0 : i32
        %dma_wait3A_80 = arith.constant 0 : i32
        %dma_wait3A_81 = tpu.memref_slice %arg11[%dma_wait3A_79, %dma_wait3A_80] : memref<10240x128xf32, #tpu.memory_space<vmem_shared>> -> memref<10240x128xf32, #tpu.memory_space<vmem_shared>>
        tpu.wait_indirect_dma semaphore(%run_scoped3A : memref<!tpu.dma_semaphore, #tpu.memory_space<semaphore_mem>>) src(%arg10 : memref<125x128xf32, #tpu.memory_space<vmem>>) dst(%dma_wait3A_81 : memref<10240x128xf32, #tpu.memory_space<vmem_shared>>)
        tpu.yield
      }) : () -> ()
    }
    %scan3A_36 = arith.constant 20 : i32
    %barrier3A_37 = arith.constant 0 : index
    tpu.barrier barrier_id(%barrier3A_37)
    %mul3A_38 = arith.constant 640 : i32
    %mul3A_39 = arith.muli %arg1, %mul3A_38 : i32
    %mul3A_40 = arith.constant 640 : i32
    %mul3A_41 = arith.muli %arg1, %mul3A_40 : i32
    "tpu.region"() ({
      %run_scoped3A = tpu.sem_alloc : memref<!tpu.dma_semaphore, #tpu.memory_space<semaphore_mem>>
      %dma_start3A_42 = arith.constant 0 : i32
      %dma_start3A_43 = tpu.memref_slice %arg6[%arg0, %mul3A_41, %dma_start3A_42] : memref<2x10240x128xf32, #tpu.memory_space<hbm>> -> memref<1x640x128xf32, #tpu.memory_space<hbm>>
      %dma_start3A_44 = tpu.memref_squeeze %dma_start3A_43 : memref<1x640x128xf32, #tpu.memory_space<hbm>> -> memref<640x128xf32, #tpu.memory_space<hbm>>
      %dma_start3A_45 = arith.constant 0 : i32
      %dma_start3A_46 = tpu.memref_slice %arg11[%mul3A_39, %dma_start3A_45] : memref<10240x128xf32, #tpu.memory_space<vmem_shared>> -> memref<640x128xf32, #tpu.memory_space<vmem_shared>>
      tpu.enqueue_dma source(%dma_start3A_46 : memref<640x128xf32, #tpu.memory_space<vmem_shared>>) target(%dma_start3A_44 : memref<640x128xf32, #tpu.memory_space<hbm>>) target_semaphore(%run_scoped3A : memref<!tpu.dma_semaphore, #tpu.memory_space<semaphore_mem>>)
      %dma_wait3A = arith.constant 0 : i32
      %dma_wait3A_47 = tpu.memref_slice %arg6[%arg0, %mul3A_41, %dma_wait3A] : memref<2x10240x128xf32, #tpu.memory_space<hbm>> -> memref<1x640x128xf32, #tpu.memory_space<hbm>>
      %dma_wait3A_48 = tpu.memref_squeeze %dma_wait3A_47 : memref<1x640x128xf32, #tpu.memory_space<hbm>> -> memref<640x128xf32, #tpu.memory_space<hbm>>
      %dma_wait3A_49 = arith.constant 0 : i32
      %dma_wait3A_50 = tpu.memref_slice %arg11[%mul3A_39, %dma_wait3A_49] : memref<10240x128xf32, #tpu.memory_space<vmem_shared>> -> memref<640x128xf32, #tpu.memory_space<vmem_shared>>
      tpu.wait_dma2 semaphore(%run_scoped3A : memref<!tpu.dma_semaphore, #tpu.memory_space<semaphore_mem>>) src(%dma_wait3A_50 : memref<640x128xf32, #tpu.memory_space<vmem_shared>>) dst(%dma_wait3A_48 : memref<640x128xf32, #tpu.memory_space<hbm>>)
      tpu.yield
    }) : () -> ()
    return
  }
}

#map = affine_map<(d0, d1) -> (0, 0)>
#map1 = affine_map<(d0, d1) -> (0, 0, 0)>
module attributes {stable_mosaic.version = 14 : i64} {
  func.func @_sc_agg(%arg0: i32, %arg1: i32, %arg2: memref<10000x64xf32, #tpu.memory_space<hbm>>, %arg3: memref<2560x125xi32, #tpu.memory_space<hbm>>, %arg4: memref<2560x125xi32, #tpu.memory_space<hbm>>, %arg5: memref<10240x64xf32, #tpu.memory_space<hbm>>, %arg6: memref<2x10240x64xf32, #tpu.memory_space<hbm>>, %arg7: memref<80x125xi32, #tpu.memory_space<vmem>>, %arg8: memref<80x125xi32, #tpu.memory_space<vmem>>, %arg9: memref<125x64xf32, #tpu.memory_space<vmem>>, %arg10: memref<125x64xf32, #tpu.memory_space<vmem>>, %arg11: memref<10240x64xf32, #tpu.memory_space<vmem_shared>>, %arg12: memref<!tpu.dma_semaphore, #tpu.memory_space<semaphore_mem>>, %arg13: memref<!tpu.dma_semaphore, #tpu.memory_space<semaphore_mem>>) attributes {dimension_semantics = [#tpu.dimension_semantics<core_parallel>, #tpu.dimension_semantics<subcore_parallel>], iteration_bounds = array<i64: 2, 16>, scalar_prefetch = 0 : i64, scratch_operands = 7 : i64, tpu.core_type = #tpu.core_type<sc_vector_subcore>, window_params = [{transform_indices = #map}, {transform_indices = #map}, {transform_indices = #map}, {transform_indices = #map}, {transform_indices = #map1}]} {
    %mul3A = arith.constant 2 : i32
    %mul3A_0 = arith.muli %arg1, %mul3A : i32
    %add3A = arith.addi %mul3A_0, %arg0 : i32
    %mul3A_1 = arith.constant 640 : i32
    %mul3A_2 = arith.muli %arg1, %mul3A_1 : i32
    %mul3A_3 = arith.constant 640 : i32
    %mul3A_4 = arith.muli %arg1, %mul3A_3 : i32
    "tpu.region"() ({
      %run_scoped3A = tpu.sem_alloc : memref<!tpu.dma_semaphore, #tpu.memory_space<semaphore_mem>>
      %dma_start3A_25 = arith.constant 0 : i32
      %dma_start3A_26 = tpu.memref_slice %arg11[%mul3A_4, %dma_start3A_25] : memref<10240x64xf32, #tpu.memory_space<vmem_shared>> -> memref<640x64xf32, #tpu.memory_space<vmem_shared>>
      %dma_start3A_27 = arith.constant 0 : i32
      %dma_start3A_28 = tpu.memref_slice %arg5[%mul3A_2, %dma_start3A_27] : memref<10240x64xf32, #tpu.memory_space<hbm>> -> memref<640x64xf32, #tpu.memory_space<hbm>>
      tpu.enqueue_dma source(%dma_start3A_28 : memref<640x64xf32, #tpu.memory_space<hbm>>) target(%dma_start3A_26 : memref<640x64xf32, #tpu.memory_space<vmem_shared>>) target_semaphore(%run_scoped3A : memref<!tpu.dma_semaphore, #tpu.memory_space<semaphore_mem>>)
      %dma_wait3A = arith.constant 0 : i32
      %dma_wait3A_29 = tpu.memref_slice %arg11[%mul3A_4, %dma_wait3A] : memref<10240x64xf32, #tpu.memory_space<vmem_shared>> -> memref<640x64xf32, #tpu.memory_space<vmem_shared>>
      %dma_wait3A_30 = arith.constant 0 : i32
      %dma_wait3A_31 = tpu.memref_slice %arg5[%mul3A_2, %dma_wait3A_30] : memref<10240x64xf32, #tpu.memory_space<hbm>> -> memref<640x64xf32, #tpu.memory_space<hbm>>
      tpu.wait_dma2 semaphore(%run_scoped3A : memref<!tpu.dma_semaphore, #tpu.memory_space<semaphore_mem>>) src(%dma_wait3A_31 : memref<640x64xf32, #tpu.memory_space<hbm>>) dst(%dma_wait3A_29 : memref<640x64xf32, #tpu.memory_space<vmem_shared>>)
      tpu.yield
    }) : () -> ()
    %barrier3A = arith.constant 0 : index
    tpu.barrier barrier_id(%barrier3A)
    %mul3A_5 = arith.constant 80 : i32
    %mul3A_6 = arith.muli %add3A, %mul3A_5 : i32
    %add3A_7 = arith.constant 0 : i32
    %add3A_8 = arith.addi %mul3A_6, %add3A_7 : i32
    "tpu.region"() ({
      %run_scoped3A = tpu.sem_alloc : memref<!tpu.dma_semaphore, #tpu.memory_space<semaphore_mem>>
      %dma_start3A_25 = arith.constant 0 : i32
      %dma_start3A_26 = tpu.memref_slice %arg3[%add3A_8, %dma_start3A_25] : memref<2560x125xi32, #tpu.memory_space<hbm>> -> memref<80x125xi32, #tpu.memory_space<hbm>>
      %dma_start3A_27 = arith.constant 0 : i32
      %dma_start3A_28 = tpu.memref_slice %arg3[%add3A_8, %dma_start3A_27] : memref<2560x125xi32, #tpu.memory_space<hbm>> -> memref<80x125xi32, #tpu.memory_space<hbm>>
      tpu.enqueue_dma source(%dma_start3A_28 : memref<80x125xi32, #tpu.memory_space<hbm>>) target(%arg7 : memref<80x125xi32, #tpu.memory_space<vmem>>) target_semaphore(%run_scoped3A : memref<!tpu.dma_semaphore, #tpu.memory_space<semaphore_mem>>)
      %dma_wait3A = arith.constant 0 : i32
      %dma_wait3A_29 = tpu.memref_slice %arg3[%add3A_8, %dma_wait3A] : memref<2560x125xi32, #tpu.memory_space<hbm>> -> memref<80x125xi32, #tpu.memory_space<hbm>>
      %dma_wait3A_30 = arith.constant 0 : i32
      %dma_wait3A_31 = tpu.memref_slice %arg3[%add3A_8, %dma_wait3A_30] : memref<2560x125xi32, #tpu.memory_space<hbm>> -> memref<80x125xi32, #tpu.memory_space<hbm>>
      tpu.wait_dma2 semaphore(%run_scoped3A : memref<!tpu.dma_semaphore, #tpu.memory_space<semaphore_mem>>) src(%dma_wait3A_31 : memref<80x125xi32, #tpu.memory_space<hbm>>) dst(%arg7 : memref<80x125xi32, #tpu.memory_space<vmem>>)
      tpu.yield
    }) : () -> ()
    "tpu.region"() ({
      %run_scoped3A = tpu.sem_alloc : memref<!tpu.dma_semaphore, #tpu.memory_space<semaphore_mem>>
      %dma_start3A_25 = arith.constant 0 : i32
      %dma_start3A_26 = tpu.memref_slice %arg4[%add3A_8, %dma_start3A_25] : memref<2560x125xi32, #tpu.memory_space<hbm>> -> memref<80x125xi32, #tpu.memory_space<hbm>>
      %dma_start3A_27 = arith.constant 0 : i32
      %dma_start3A_28 = tpu.memref_slice %arg4[%add3A_8, %dma_start3A_27] : memref<2560x125xi32, #tpu.memory_space<hbm>> -> memref<80x125xi32, #tpu.memory_space<hbm>>
      tpu.enqueue_dma source(%dma_start3A_28 : memref<80x125xi32, #tpu.memory_space<hbm>>) target(%arg8 : memref<80x125xi32, #tpu.memory_space<vmem>>) target_semaphore(%run_scoped3A : memref<!tpu.dma_semaphore, #tpu.memory_space<semaphore_mem>>)
      %dma_wait3A = arith.constant 0 : i32
      %dma_wait3A_29 = tpu.memref_slice %arg4[%add3A_8, %dma_wait3A] : memref<2560x125xi32, #tpu.memory_space<hbm>> -> memref<80x125xi32, #tpu.memory_space<hbm>>
      %dma_wait3A_30 = arith.constant 0 : i32
      %dma_wait3A_31 = tpu.memref_slice %arg4[%add3A_8, %dma_wait3A_30] : memref<2560x125xi32, #tpu.memory_space<hbm>> -> memref<80x125xi32, #tpu.memory_space<hbm>>
      tpu.wait_dma2 semaphore(%run_scoped3A : memref<!tpu.dma_semaphore, #tpu.memory_space<semaphore_mem>>) src(%dma_wait3A_31 : memref<80x125xi32, #tpu.memory_space<hbm>>) dst(%arg8 : memref<80x125xi32, #tpu.memory_space<vmem>>)
      tpu.yield
    }) : () -> ()
    %dma_start3A = arith.constant 0 : i32
    %dma_start3A_9 = arith.constant 0 : i32
    %dma_start3A_10 = tpu.memref_slice %arg7[%dma_start3A, %dma_start3A_9] : memref<80x125xi32, #tpu.memory_space<vmem>> -> memref<1x125xi32, #tpu.memory_space<vmem>>
    %dma_start3A_11 = tpu.memref_squeeze %dma_start3A_10 : memref<1x125xi32, #tpu.memory_space<vmem>> -> memref<125xi32, #tpu.memory_space<vmem>>
    %dma_start3A_12 = arith.constant 0 : i32
    %dma_start3A_13 = arith.constant 0 : i32
    %dma_start3A_14 = tpu.memref_slice %arg2[%dma_start3A_12, %dma_start3A_13] : memref<10000x64xf32, #tpu.memory_space<hbm>> -> memref<10000x64xf32, #tpu.memory_space<hbm>>
    tpu.enqueue_indirect_dma source(%dma_start3A_14 : memref<10000x64xf32, #tpu.memory_space<hbm>>) target(%arg9 : memref<125x64xf32, #tpu.memory_space<vmem>>) offsets(%dma_start3A_11 : memref<125xi32, #tpu.memory_space<vmem>>) semaphore(%arg12 : memref<!tpu.dma_semaphore, #tpu.memory_space<semaphore_mem>>)
    %scan3A = arith.constant 0 : i32
    %scan3A_15 = arith.constant 0 : i32
    %scan3A_16 = arith.constant 40 : i32
    %scan3A_17 = arith.addi %scan3A_15, %scan3A_16 : i32
    %scan3A_18 = arith.constant 1 : i32
    scf.for %scan3A_25 = %scan3A_15 to %scan3A_17 step %scan3A_18  : i32 {
      %mul3A_26 = arith.constant 2 : i32
      %mul3A_27 = arith.muli %scan3A_25, %mul3A_26 : i32
      %dma_wait3A = arith.constant 0 : i32
      %dma_wait3A_28 = tpu.memref_slice %arg7[%mul3A_27, %dma_wait3A] : memref<80x125xi32, #tpu.memory_space<vmem>> -> memref<1x125xi32, #tpu.memory_space<vmem>>
      %dma_wait3A_29 = tpu.memref_squeeze %dma_wait3A_28 : memref<1x125xi32, #tpu.memory_space<vmem>> -> memref<125xi32, #tpu.memory_space<vmem>>
      %dma_wait3A_30 = arith.constant 0 : i32
      %dma_wait3A_31 = arith.constant 0 : i32
      %dma_wait3A_32 = tpu.memref_slice %arg2[%dma_wait3A_30, %dma_wait3A_31] : memref<10000x64xf32, #tpu.memory_space<hbm>> -> memref<10000x64xf32, #tpu.memory_space<hbm>>
      tpu.wait_indirect_dma semaphore(%arg12 : memref<!tpu.dma_semaphore, #tpu.memory_space<semaphore_mem>>) src(%dma_wait3A_32 : memref<10000x64xf32, #tpu.memory_space<hbm>>) dst(%arg9 : memref<125x64xf32, #tpu.memory_space<vmem>>)
      %add3A_33 = arith.constant 1 : i32
      %add3A_34 = arith.addi %mul3A_27, %add3A_33 : i32
      %dma_start3A_35 = arith.constant 0 : i32
      %dma_start3A_36 = tpu.memref_slice %arg7[%add3A_34, %dma_start3A_35] : memref<80x125xi32, #tpu.memory_space<vmem>> -> memref<1x125xi32, #tpu.memory_space<vmem>>
      %dma_start3A_37 = tpu.memref_squeeze %dma_start3A_36 : memref<1x125xi32, #tpu.memory_space<vmem>> -> memref<125xi32, #tpu.memory_space<vmem>>
      %dma_start3A_38 = arith.constant 0 : i32
      %dma_start3A_39 = arith.constant 0 : i32
      %dma_start3A_40 = tpu.memref_slice %arg2[%dma_start3A_38, %dma_start3A_39] : memref<10000x64xf32, #tpu.memory_space<hbm>> -> memref<10000x64xf32, #tpu.memory_space<hbm>>
      tpu.enqueue_indirect_dma source(%dma_start3A_40 : memref<10000x64xf32, #tpu.memory_space<hbm>>) target(%arg10 : memref<125x64xf32, #tpu.memory_space<vmem>>) offsets(%dma_start3A_37 : memref<125xi32, #tpu.memory_space<vmem>>) semaphore(%arg13 : memref<!tpu.dma_semaphore, #tpu.memory_space<semaphore_mem>>)
      "tpu.region"() ({
        %run_scoped3A = tpu.sem_alloc : memref<!tpu.dma_semaphore, #tpu.memory_space<semaphore_mem>>
        %dma_start3A_53 = arith.constant 0 : i32
        %dma_start3A_54 = tpu.memref_slice %arg8[%mul3A_27, %dma_start3A_53] : memref<80x125xi32, #tpu.memory_space<vmem>> -> memref<1x125xi32, #tpu.memory_space<vmem>>
        %dma_start3A_55 = tpu.memref_squeeze %dma_start3A_54 : memref<1x125xi32, #tpu.memory_space<vmem>> -> memref<125xi32, #tpu.memory_space<vmem>>
        %dma_start3A_56 = arith.constant 0 : i32
        %dma_start3A_57 = arith.constant 0 : i32
        %dma_start3A_58 = tpu.memref_slice %arg11[%dma_start3A_56, %dma_start3A_57] : memref<10240x64xf32, #tpu.memory_space<vmem_shared>> -> memref<10240x64xf32, #tpu.memory_space<vmem_shared>>
        tpu.enqueue_indirect_dma source(%arg9 : memref<125x64xf32, #tpu.memory_space<vmem>>) target(%dma_start3A_58 : memref<10240x64xf32, #tpu.memory_space<vmem_shared>>) offsets(%dma_start3A_55 : memref<125xi32, #tpu.memory_space<vmem>>) semaphore(%run_scoped3A : memref<!tpu.dma_semaphore, #tpu.memory_space<semaphore_mem>>) {add = true}
        %dma_wait3A_59 = arith.constant 0 : i32
        %dma_wait3A_60 = tpu.memref_slice %arg8[%mul3A_27, %dma_wait3A_59] : memref<80x125xi32, #tpu.memory_space<vmem>> -> memref<1x125xi32, #tpu.memory_space<vmem>>
        %dma_wait3A_61 = tpu.memref_squeeze %dma_wait3A_60 : memref<1x125xi32, #tpu.memory_space<vmem>> -> memref<125xi32, #tpu.memory_space<vmem>>
        %dma_wait3A_62 = arith.constant 0 : i32
        %dma_wait3A_63 = arith.constant 0 : i32
        %dma_wait3A_64 = tpu.memref_slice %arg11[%dma_wait3A_62, %dma_wait3A_63] : memref<10240x64xf32, #tpu.memory_space<vmem_shared>> -> memref<10240x64xf32, #tpu.memory_space<vmem_shared>>
        tpu.wait_indirect_dma semaphore(%run_scoped3A : memref<!tpu.dma_semaphore, #tpu.memory_space<semaphore_mem>>) src(%arg9 : memref<125x64xf32, #tpu.memory_space<vmem>>) dst(%dma_wait3A_64 : memref<10240x64xf32, #tpu.memory_space<vmem_shared>>)
        tpu.yield
      }) : () -> ()
      %add3A_41 = arith.constant 1 : i32
      %add3A_42 = arith.addi %mul3A_27, %add3A_41 : i32
      %dma_wait3A_43 = arith.constant 0 : i32
      %dma_wait3A_44 = tpu.memref_slice %arg7[%add3A_42, %dma_wait3A_43] : memref<80x125xi32, #tpu.memory_space<vmem>> -> memref<1x125xi32, #tpu.memory_space<vmem>>
      %dma_wait3A_45 = tpu.memref_squeeze %dma_wait3A_44 : memref<1x125xi32, #tpu.memory_space<vmem>> -> memref<125xi32, #tpu.memory_space<vmem>>
      %dma_wait3A_46 = arith.constant 0 : i32
      %dma_wait3A_47 = arith.constant 0 : i32
      %dma_wait3A_48 = tpu.memref_slice %arg2[%dma_wait3A_46, %dma_wait3A_47] : memref<10000x64xf32, #tpu.memory_space<hbm>> -> memref<10000x64xf32, #tpu.memory_space<hbm>>
      tpu.wait_indirect_dma semaphore(%arg13 : memref<!tpu.dma_semaphore, #tpu.memory_space<semaphore_mem>>) src(%dma_wait3A_48 : memref<10000x64xf32, #tpu.memory_space<hbm>>) dst(%arg10 : memref<125x64xf32, #tpu.memory_space<vmem>>)
      %lt3A = arith.constant 39 : i32
      %lt3A_49 = arith.cmpi slt, %scan3A_25, %lt3A : i32
      %convert_element_type3A = arith.extui %lt3A_49 : i1 to i32
      %cond3A = arith.constant 0 : i32
      %cond3A_50 = arith.cmpi ne, %convert_element_type3A, %cond3A : i32
      scf.if %cond3A_50 {
        %add3A_53 = arith.constant 2 : i32
        %add3A_54 = arith.addi %mul3A_27, %add3A_53 : i32
        %dma_start3A_55 = arith.constant 0 : i32
        %dma_start3A_56 = tpu.memref_slice %arg7[%add3A_54, %dma_start3A_55] : memref<80x125xi32, #tpu.memory_space<vmem>> -> memref<1x125xi32, #tpu.memory_space<vmem>>
        %dma_start3A_57 = tpu.memref_squeeze %dma_start3A_56 : memref<1x125xi32, #tpu.memory_space<vmem>> -> memref<125xi32, #tpu.memory_space<vmem>>
        %dma_start3A_58 = arith.constant 0 : i32
        %dma_start3A_59 = arith.constant 0 : i32
        %dma_start3A_60 = tpu.memref_slice %arg2[%dma_start3A_58, %dma_start3A_59] : memref<10000x64xf32, #tpu.memory_space<hbm>> -> memref<10000x64xf32, #tpu.memory_space<hbm>>
        tpu.enqueue_indirect_dma source(%dma_start3A_60 : memref<10000x64xf32, #tpu.memory_space<hbm>>) target(%arg9 : memref<125x64xf32, #tpu.memory_space<vmem>>) offsets(%dma_start3A_57 : memref<125xi32, #tpu.memory_space<vmem>>) semaphore(%arg12 : memref<!tpu.dma_semaphore, #tpu.memory_space<semaphore_mem>>)
      } else {
      }
      %add3A_51 = arith.constant 1 : i32
      %add3A_52 = arith.addi %mul3A_27, %add3A_51 : i32
      "tpu.region"() ({
        %run_scoped3A = tpu.sem_alloc : memref<!tpu.dma_semaphore, #tpu.memory_space<semaphore_mem>>
        %dma_start3A_53 = arith.constant 0 : i32
        %dma_start3A_54 = tpu.memref_slice %arg8[%add3A_52, %dma_start3A_53] : memref<80x125xi32, #tpu.memory_space<vmem>> -> memref<1x125xi32, #tpu.memory_space<vmem>>
        %dma_start3A_55 = tpu.memref_squeeze %dma_start3A_54 : memref<1x125xi32, #tpu.memory_space<vmem>> -> memref<125xi32, #tpu.memory_space<vmem>>
        %dma_start3A_56 = arith.constant 0 : i32
        %dma_start3A_57 = arith.constant 0 : i32
        %dma_start3A_58 = tpu.memref_slice %arg11[%dma_start3A_56, %dma_start3A_57] : memref<10240x64xf32, #tpu.memory_space<vmem_shared>> -> memref<10240x64xf32, #tpu.memory_space<vmem_shared>>
        tpu.enqueue_indirect_dma source(%arg10 : memref<125x64xf32, #tpu.memory_space<vmem>>) target(%dma_start3A_58 : memref<10240x64xf32, #tpu.memory_space<vmem_shared>>) offsets(%dma_start3A_55 : memref<125xi32, #tpu.memory_space<vmem>>) semaphore(%run_scoped3A : memref<!tpu.dma_semaphore, #tpu.memory_space<semaphore_mem>>) {add = true}
        %dma_wait3A_59 = arith.constant 0 : i32
        %dma_wait3A_60 = tpu.memref_slice %arg8[%add3A_52, %dma_wait3A_59] : memref<80x125xi32, #tpu.memory_space<vmem>> -> memref<1x125xi32, #tpu.memory_space<vmem>>
        %dma_wait3A_61 = tpu.memref_squeeze %dma_wait3A_60 : memref<1x125xi32, #tpu.memory_space<vmem>> -> memref<125xi32, #tpu.memory_space<vmem>>
        %dma_wait3A_62 = arith.constant 0 : i32
        %dma_wait3A_63 = arith.constant 0 : i32
        %dma_wait3A_64 = tpu.memref_slice %arg11[%dma_wait3A_62, %dma_wait3A_63] : memref<10240x64xf32, #tpu.memory_space<vmem_shared>> -> memref<10240x64xf32, #tpu.memory_space<vmem_shared>>
        tpu.wait_indirect_dma semaphore(%run_scoped3A : memref<!tpu.dma_semaphore, #tpu.memory_space<semaphore_mem>>) src(%arg10 : memref<125x64xf32, #tpu.memory_space<vmem>>) dst(%dma_wait3A_64 : memref<10240x64xf32, #tpu.memory_space<vmem_shared>>)
        tpu.yield
      }) : () -> ()
    }
    %scan3A_19 = arith.constant 40 : i32
    %barrier3A_20 = arith.constant 0 : index
    tpu.barrier barrier_id(%barrier3A_20)
    %mul3A_21 = arith.constant 640 : i32
    %mul3A_22 = arith.muli %arg1, %mul3A_21 : i32
    %mul3A_23 = arith.constant 640 : i32
    %mul3A_24 = arith.muli %arg1, %mul3A_23 : i32
    "tpu.region"() ({
      %run_scoped3A = tpu.sem_alloc : memref<!tpu.dma_semaphore, #tpu.memory_space<semaphore_mem>>
      %dma_start3A_25 = arith.constant 0 : i32
      %dma_start3A_26 = tpu.memref_slice %arg6[%arg0, %mul3A_24, %dma_start3A_25] : memref<2x10240x64xf32, #tpu.memory_space<hbm>> -> memref<1x640x64xf32, #tpu.memory_space<hbm>>
      %dma_start3A_27 = tpu.memref_squeeze %dma_start3A_26 : memref<1x640x64xf32, #tpu.memory_space<hbm>> -> memref<640x64xf32, #tpu.memory_space<hbm>>
      %dma_start3A_28 = arith.constant 0 : i32
      %dma_start3A_29 = tpu.memref_slice %arg11[%mul3A_22, %dma_start3A_28] : memref<10240x64xf32, #tpu.memory_space<vmem_shared>> -> memref<640x64xf32, #tpu.memory_space<vmem_shared>>
      tpu.enqueue_dma source(%dma_start3A_29 : memref<640x64xf32, #tpu.memory_space<vmem_shared>>) target(%dma_start3A_27 : memref<640x64xf32, #tpu.memory_space<hbm>>) target_semaphore(%run_scoped3A : memref<!tpu.dma_semaphore, #tpu.memory_space<semaphore_mem>>)
      %dma_wait3A = arith.constant 0 : i32
      %dma_wait3A_30 = tpu.memref_slice %arg6[%arg0, %mul3A_24, %dma_wait3A] : memref<2x10240x64xf32, #tpu.memory_space<hbm>> -> memref<1x640x64xf32, #tpu.memory_space<hbm>>
      %dma_wait3A_31 = tpu.memref_squeeze %dma_wait3A_30 : memref<1x640x64xf32, #tpu.memory_space<hbm>> -> memref<640x64xf32, #tpu.memory_space<hbm>>
      %dma_wait3A_32 = arith.constant 0 : i32
      %dma_wait3A_33 = tpu.memref_slice %arg11[%mul3A_22, %dma_wait3A_32] : memref<10240x64xf32, #tpu.memory_space<vmem_shared>> -> memref<640x64xf32, #tpu.memory_space<vmem_shared>>
      tpu.wait_dma2 semaphore(%run_scoped3A : memref<!tpu.dma_semaphore, #tpu.memory_space<semaphore_mem>>) src(%dma_wait3A_33 : memref<640x64xf32, #tpu.memory_space<vmem_shared>>) dst(%dma_wait3A_31 : memref<640x64xf32, #tpu.memory_space<hbm>>)
      tpu.yield
    }) : () -> ()
    return
  }
}

module attributes {stable_mosaic.version = 14 : i64} {
  func.func @_tc_prep_body(%arg0: memref<10000x128xf32, #tpu.memory_space<vmem>>, %arg1: memref<128x128xf32, #tpu.memory_space<vmem>>, %arg2: memref<2x2x1x10240xf32, #tpu.memory_space<vmem>>, %arg3: memref<10000x128xf32, #tpu.memory_space<vmem>>) attributes {dimension_semantics = [], scalar_prefetch = 0 : i64, scratch_operands = 0 : i64, tpu.core_type = #tpu.core_type<tc>} {
    %get3A = arith.constant 0 : index
    %get3A_0 = arith.constant 0 : index
    %get3A_1 = arith.constant 0 : index
    %get3A_2 = arith.constant 0 : index
    %get3A_3 = vector.load %arg2[%get3A, %get3A_0, %get3A_1, %get3A_2] : memref<2x2x1x10240xf32, #tpu.memory_space<vmem>>, vector<1x1x1x10240xf32>
    %get3A_4 = vector.shape_cast %get3A_3 : vector<1x1x1x10240xf32> to vector<10240xf32>
    %get3A_5 = arith.constant 1 : index
    %get3A_6 = arith.constant 0 : index
    %get3A_7 = arith.constant 0 : index
    %get3A_8 = arith.constant 0 : index
    %get3A_9 = vector.load %arg2[%get3A_5, %get3A_6, %get3A_7, %get3A_8] : memref<2x2x1x10240xf32, #tpu.memory_space<vmem>>, vector<1x1x1x10240xf32>
    %get3A_10 = vector.shape_cast %get3A_9 : vector<1x1x1x10240xf32> to vector<10240xf32>
    %add3A = arith.addf %get3A_4, %get3A_10 : vector<10240xf32>
    %max3A = arith.constant 1.000000e+00 : f32
    %max3A_11 = vector.broadcast %max3A : f32 to vector<10240xf32>
    %max3A_12 = arith.maximumf %add3A, %max3A_11 : vector<10240xf32>
    %rsqrt3A = math.rsqrt %max3A_12 : vector<10240xf32>
    %reshape3A = vector.shape_cast %rsqrt3A : vector<10240xf32> to vector<1x10240xf32>
    %broadcast_in_dim3A = vector.shape_cast %reshape3A : vector<1x10240xf32> to vector<1x10240xf32>
    %broadcast_in_dim3A_13 = vector.broadcast %broadcast_in_dim3A : vector<1x10240xf32> to vector<8x10240xf32>
    %transpose3A = tpu.transpose %broadcast_in_dim3A_13, [1, 0] : vector<8x10240xf32> -> vector<10240x8xf32>
    %slice3A = vector.extract_strided_slice %transpose3A {offsets = [0, 0], sizes = [10000, 1], strides = [1, 1]} : vector<10240x8xf32> to vector<10000x1xf32>
    %get3A_14 = arith.constant 0 : index
    %get3A_15 = arith.constant 0 : index
    %get3A_16 = vector.load %arg0[%get3A_14, %get3A_15] : memref<10000x128xf32, #tpu.memory_space<vmem>>, vector<10000x128xf32>
    %mul3A = vector.broadcast %slice3A : vector<10000x1xf32> to vector<10000x128xf32>
    %mul3A_17 = arith.mulf %get3A_16, %mul3A : vector<10000x128xf32>
    %get3A_18 = arith.constant 0 : index
    %get3A_19 = arith.constant 0 : index
    %get3A_20 = vector.load %arg1[%get3A_18, %get3A_19] : memref<128x128xf32, #tpu.memory_space<vmem>>, vector<128x128xf32>
    %dot_general3A = arith.constant dense<0.000000e+00> : vector<10000x128xf32>
    %dot_general3A_21 = tpu.matmul %mul3A_17, %get3A_20, %dot_general3A {dimension_numbers = #tpu.dot_dimension_numbers<[1], [0], [0], [1], [0, 0, 1, 1], [], []>, transpose_lhs_hint = false} : vector<10000x128xf32>, vector<128x128xf32>, vector<10000x128xf32> -> vector<10000x128xf32>
    %swap3A = arith.constant 0 : index
    %swap3A_22 = arith.constant 0 : index
    %swap3A_23 = vector.load %arg3[%swap3A, %swap3A_22] : memref<10000x128xf32, #tpu.memory_space<vmem>>, vector<10000x128xf32>
    tpu.vector_store %arg3[%swap3A, %swap3A_22], %dot_general3A_21 {strides = array<i32>} : memref<10000x128xf32, #tpu.memory_space<vmem>>, vector<10000x128xf32>,
    return
  }
}

module attributes {stable_mosaic.version = 14 : i64} {
  func.func @_tc_mid_body(%arg0: memref<2x10240x128xf32, #tpu.memory_space<vmem>>, %arg1: memref<2x2x1x10240xf32, #tpu.memory_space<vmem>>, %arg2: memref<1x128xf32, #tpu.memory_space<vmem>>, %arg3: memref<128x64xf32, #tpu.memory_space<vmem>>, %arg4: memref<10000x64xf32, #tpu.memory_space<vmem>>) attributes {dimension_semantics = [], scalar_prefetch = 0 : i64, scratch_operands = 0 : i64, tpu.core_type = #tpu.core_type<tc>} {
    %get3A = arith.constant 0 : index
    %get3A_0 = arith.constant 0 : index
    %get3A_1 = arith.constant 0 : index
    %get3A_2 = arith.constant 0 : index
    %get3A_3 = vector.load %arg1[%get3A, %get3A_0, %get3A_1, %get3A_2] : memref<2x2x1x10240xf32, #tpu.memory_space<vmem>>, vector<1x1x1x10240xf32>
    %get3A_4 = vector.shape_cast %get3A_3 : vector<1x1x1x10240xf32> to vector<10240xf32>
    %get3A_5 = arith.constant 1 : index
    %get3A_6 = arith.constant 0 : index
    %get3A_7 = arith.constant 0 : index
    %get3A_8 = arith.constant 0 : index
    %get3A_9 = vector.load %arg1[%get3A_5, %get3A_6, %get3A_7, %get3A_8] : memref<2x2x1x10240xf32, #tpu.memory_space<vmem>>, vector<1x1x1x10240xf32>
    %get3A_10 = vector.shape_cast %get3A_9 : vector<1x1x1x10240xf32> to vector<10240xf32>
    %add3A = arith.addf %get3A_4, %get3A_10 : vector<10240xf32>
    %max3A = arith.constant 1.000000e+00 : f32
    %max3A_11 = vector.broadcast %max3A : f32 to vector<10240xf32>
    %max3A_12 = arith.maximumf %add3A, %max3A_11 : vector<10240xf32>
    %rsqrt3A = math.rsqrt %max3A_12 : vector<10240xf32>
    %reshape3A = vector.shape_cast %rsqrt3A : vector<10240xf32> to vector<1x10240xf32>
    %broadcast_in_dim3A = vector.shape_cast %reshape3A : vector<1x10240xf32> to vector<1x10240xf32>
    %broadcast_in_dim3A_13 = vector.broadcast %broadcast_in_dim3A : vector<1x10240xf32> to vector<8x10240xf32>
    %transpose3A = tpu.transpose %broadcast_in_dim3A_13, [1, 0] : vector<8x10240xf32> -> vector<10240x8xf32>
    %slice3A = vector.extract_strided_slice %transpose3A {offsets = [0, 0], sizes = [10000, 1], strides = [1, 1]} : vector<10240x8xf32> to vector<10000x1xf32>
    %get3A_14 = arith.constant 0 : index
    %get3A_15 = arith.constant 1 : index
    %get3A_16 = arith.constant 0 : index
    %get3A_17 = arith.constant 0 : index
    %get3A_18 = vector.load %arg1[%get3A_14, %get3A_15, %get3A_16, %get3A_17] : memref<2x2x1x10240xf32, #tpu.memory_space<vmem>>, vector<1x1x1x10240xf32>
    %get3A_19 = vector.shape_cast %get3A_18 : vector<1x1x1x10240xf32> to vector<10240xf32>
    %get3A_20 = arith.constant 1 : index
    %get3A_21 = arith.constant 1 : index
    %get3A_22 = arith.constant 0 : index
    %get3A_23 = arith.constant 0 : index
    %get3A_24 = vector.load %arg1[%get3A_20, %get3A_21, %get3A_22, %get3A_23] : memref<2x2x1x10240xf32, #tpu.memory_space<vmem>>, vector<1x1x1x10240xf32>
    %get3A_25 = vector.shape_cast %get3A_24 : vector<1x1x1x10240xf32> to vector<10240xf32>
    %add3A_26 = arith.addf %get3A_19, %get3A_25 : vector<10240xf32>
    %max3A_27 = arith.constant 1.000000e+00 : f32
    %max3A_28 = vector.broadcast %max3A_27 : f32 to vector<10240xf32>
    %max3A_29 = arith.maximumf %add3A_26, %max3A_28 : vector<10240xf32>
    %rsqrt3A_30 = math.rsqrt %max3A_29 : vector<10240xf32>
    %reshape3A_31 = vector.shape_cast %rsqrt3A_30 : vector<10240xf32> to vector<1x10240xf32>
    %broadcast_in_dim3A_32 = vector.shape_cast %reshape3A_31 : vector<1x10240xf32> to vector<1x10240xf32>
    %broadcast_in_dim3A_33 = vector.broadcast %broadcast_in_dim3A_32 : vector<1x10240xf32> to vector<8x10240xf32>
    %transpose3A_34 = tpu.transpose %broadcast_in_dim3A_33, [1, 0] : vector<8x10240xf32> -> vector<10240x8xf32>
    %slice3A_35 = vector.extract_strided_slice %transpose3A_34 {offsets = [0, 0], sizes = [10000, 1], strides = [1, 1]} : vector<10240x8xf32> to vector<10000x1xf32>
    %get3A_36 = arith.constant 0 : index
    %get3A_37 = arith.constant 0 : index
    %get3A_38 = arith.constant 0 : index
    %get3A_39 = vector.load %arg0[%get3A_36, %get3A_37, %get3A_38] : memref<2x10240x128xf32, #tpu.memory_space<vmem>>, vector<1x10000x128xf32>
    %get3A_40 = vector.shape_cast %get3A_39 : vector<1x10000x128xf32> to vector<10000x128xf32>
    %get3A_41 = arith.constant 1 : index
    %get3A_42 = arith.constant 0 : index
    %get3A_43 = arith.constant 0 : index
    %get3A_44 = vector.load %arg0[%get3A_41, %get3A_42, %get3A_43] : memref<2x10240x128xf32, #tpu.memory_space<vmem>>, vector<1x10000x128xf32>
    %get3A_45 = vector.shape_cast %get3A_44 : vector<1x10000x128xf32> to vector<10000x128xf32>
    %add3A_46 = arith.addf %get3A_40, %get3A_45 : vector<10000x128xf32>
    %mul3A = vector.broadcast %slice3A_35 : vector<10000x1xf32> to vector<10000x128xf32>
    %mul3A_47 = arith.mulf %add3A_46, %mul3A : vector<10000x128xf32>
    %get3A_48 = arith.constant 0 : index
    %get3A_49 = arith.constant 0 : index
    %get3A_50 = vector.load %arg2[%get3A_48, %get3A_49] : memref<1x128xf32, #tpu.memory_space<vmem>>, vector<1x128xf32>
    %add3A_51 = vector.broadcast %get3A_50 : vector<1x128xf32> to vector<10000x128xf32>
    %add3A_52 = arith.addf %mul3A_47, %add3A_51 : vector<10000x128xf32>
    %max3A_53 = arith.constant 0.000000e+00 : f32
    %max3A_54 = vector.broadcast %max3A_53 : f32 to vector<10000x128xf32>
    %max3A_55 = arith.maximumf %add3A_52, %max3A_54 : vector<10000x128xf32>
    %mul3A_56 = vector.broadcast %slice3A : vector<10000x1xf32> to vector<10000x128xf32>
    %mul3A_57 = arith.mulf %max3A_55, %mul3A_56 : vector<10000x128xf32>
    %get3A_58 = arith.constant 0 : index
    %get3A_59 = arith.constant 0 : index
    %get3A_60 = vector.load %arg3[%get3A_58, %get3A_59] : memref<128x64xf32, #tpu.memory_space<vmem>>, vector<128x64xf32>
    %dot_general3A = arith.constant dense<0.000000e+00> : vector<10000x64xf32>
    %dot_general3A_61 = tpu.matmul %mul3A_57, %get3A_60, %dot_general3A {dimension_numbers = #tpu.dot_dimension_numbers<[1], [0], [0], [1], [0, 0, 1, 1], [], []>, transpose_lhs_hint = false} : vector<10000x128xf32>, vector<128x64xf32>, vector<10000x64xf32> -> vector<10000x64xf32>
    %swap3A = arith.constant 0 : index
    %swap3A_62 = arith.constant 0 : index
    %swap3A_63 = vector.load %arg4[%swap3A, %swap3A_62] : memref<10000x64xf32, #tpu.memory_space<vmem>>, vector<10000x64xf32>
    tpu.vector_store %arg4[%swap3A, %swap3A_62], %dot_general3A_61 {strides = array<i32>} : memref<10000x64xf32, #tpu.memory_space<vmem>>, vector<10000x64xf32>,
    return
  }
}

module attributes {stable_mosaic.version = 14 : i64} {
  func.func @_tc_fin_body(%arg0: memref<2x10240x64xf32, #tpu.memory_space<vmem>>, %arg1: memref<2x2x1x10240xf32, #tpu.memory_space<vmem>>, %arg2: memref<1x64xf32, #tpu.memory_space<vmem>>, %arg3: memref<10000x64xf32, #tpu.memory_space<vmem>>) attributes {dimension_semantics = [], scalar_prefetch = 0 : i64, scratch_operands = 0 : i64, tpu.core_type = #tpu.core_type<tc>} {
    %get3A = arith.constant 0 : index
    %get3A_0 = arith.constant 1 : index
    %get3A_1 = arith.constant 0 : index
    %get3A_2 = arith.constant 0 : index
    %get3A_3 = vector.load %arg1[%get3A, %get3A_0, %get3A_1, %get3A_2] : memref<2x2x1x10240xf32, #tpu.memory_space<vmem>>, vector<1x1x1x10240xf32>
    %get3A_4 = vector.shape_cast %get3A_3 : vector<1x1x1x10240xf32> to vector<10240xf32>
    %get3A_5 = arith.constant 1 : index
    %get3A_6 = arith.constant 1 : index
    %get3A_7 = arith.constant 0 : index
    %get3A_8 = arith.constant 0 : index
    %get3A_9 = vector.load %arg1[%get3A_5, %get3A_6, %get3A_7, %get3A_8] : memref<2x2x1x10240xf32, #tpu.memory_space<vmem>>, vector<1x1x1x10240xf32>
    %get3A_10 = vector.shape_cast %get3A_9 : vector<1x1x1x10240xf32> to vector<10240xf32>
    %add3A = arith.addf %get3A_4, %get3A_10 : vector<10240xf32>
    %max3A = arith.constant 1.000000e+00 : f32
    %max3A_11 = vector.broadcast %max3A : f32 to vector<10240xf32>
    %max3A_12 = arith.maximumf %add3A, %max3A_11 : vector<10240xf32>
    %rsqrt3A = math.rsqrt %max3A_12 : vector<10240xf32>
    %reshape3A = vector.shape_cast %rsqrt3A : vector<10240xf32> to vector<1x10240xf32>
    %broadcast_in_dim3A = vector.shape_cast %reshape3A : vector<1x10240xf32> to vector<1x10240xf32>
    %broadcast_in_dim3A_13 = vector.broadcast %broadcast_in_dim3A : vector<1x10240xf32> to vector<8x10240xf32>
    %transpose3A = tpu.transpose %broadcast_in_dim3A_13, [1, 0] : vector<8x10240xf32> -> vector<10240x8xf32>
    %slice3A = vector.extract_strided_slice %transpose3A {offsets = [0, 0], sizes = [10000, 1], strides = [1, 1]} : vector<10240x8xf32> to vector<10000x1xf32>
    %get3A_14 = arith.constant 0 : index
    %get3A_15 = arith.constant 0 : index
    %get3A_16 = arith.constant 0 : index
    %get3A_17 = vector.load %arg0[%get3A_14, %get3A_15, %get3A_16] : memref<2x10240x64xf32, #tpu.memory_space<vmem>>, vector<1x10000x64xf32>
    %get3A_18 = vector.shape_cast %get3A_17 : vector<1x10000x64xf32> to vector<10000x64xf32>
    %get3A_19 = arith.constant 1 : index
    %get3A_20 = arith.constant 0 : index
    %get3A_21 = arith.constant 0 : index
    %get3A_22 = vector.load %arg0[%get3A_19, %get3A_20, %get3A_21] : memref<2x10240x64xf32, #tpu.memory_space<vmem>>, vector<1x10000x64xf32>
    %get3A_23 = vector.shape_cast %get3A_22 : vector<1x10000x64xf32> to vector<10000x64xf32>
    %add3A_24 = arith.addf %get3A_18, %get3A_23 : vector<10000x64xf32>
    %mul3A = vector.broadcast %slice3A : vector<10000x1xf32> to vector<10000x64xf32>
    %mul3A_25 = arith.mulf %add3A_24, %mul3A : vector<10000x64xf32>
    %get3A_26 = arith.constant 0 : index
    %get3A_27 = arith.constant 0 : index
    %get3A_28 = vector.load %arg2[%get3A_26, %get3A_27] : memref<1x64xf32, #tpu.memory_space<vmem>>, vector<1x64xf32>
    %add3A_29 = vector.broadcast %get3A_28 : vector<1x64xf32> to vector<10000x64xf32>
    %add3A_30 = arith.addf %mul3A_25, %add3A_29 : vector<10000x64xf32>
    %swap3A = arith.constant 0 : index
    %swap3A_31 = arith.constant 0 : index
    %swap3A_32 = vector.load %arg3[%swap3A, %swap3A_31] : memref<10000x64xf32, #tpu.memory_space<vmem>>, vector<10000x64xf32>
    tpu.vector_store %arg3[%swap3A, %swap3A_31], %add3A_30 {strides = array<i32>} : memref<10000x64xf32, #tpu.memory_space<vmem>>, vector<10000x64xf32>,
    return
  }
}

</mosaic_0001>

<sc_bundles>
// kernel: kernel.11.cloned.1.call-start
scs
__scs_entry_jumppad:
0x0: {  	(pc) =	sbr.rel $0x88, $3  }
0x1: {  	(tag) =	ssettag $0x0;
	lr =	simm.s32 $0x1  }
0x2: {  	[smem:$0x3F9B] =	sst lr;
	_ =	strace $0xD0000000  }
0x3: {  	_ = 	snop  }
0x4: {  	_ = 	snop  }
0x5: {  	_ = 	snop  }
0x6: {  	_ = 	snop  }
0x7: {  	_ = 	snop  }
__scs_overlays_trampoline_lowered:
0x8: {  	[smem:$0x3FAA] =	sst s0  }
0x9: {  	[smem:$0x3FAB] =	sst s1  }
0xa: {  	[smem:$0x3FAC] =	sst s2  }
0xb: {  	[smem:$0x3FAD] =	sst s3  }
0xc: {  	[smem:$0x3FAE] =	sst s4  }
0xd: {  	[smem:$0x3FAF] =	sst s5  }
0xe: {  	[smem:$0x3FB0] =	sst s6  }
0xf: {  	[smem:$0x3FB1] =	sst s7  }
0x10: {  	[smem:$0x3FB2] =	sst s8  }
0x11: {  	[smem:$0x3FB3] =	sst s9;
	s0 =	simm.s32 @!p0 $0x0  }
0x12: {  	s1 =	sld [smem:$0x3F99];
	s0 =	simm.s32 @p0 $0x1  }
0x13: {  	[smem:$0x3FB4] =	sst s0;
	s0 =	simm.s32 @!p1 $0x0  }
0x14: {  	s2 =	sld [smem:$0x3F98];
	s0 =	simm.s32 @p1 $0x1  }
0x15: {  	[smem:$0x3FB5] =	sst s0;
	s0 =	simm.s32 @!p2 $0x0  }
0x16: {  	s3 =	sld [smem:$0x3FDB];
	s0 =	simm.s32 @p2 $0x1  }
0x17: {  	s4 =	simm.s32 $0x1BF5;
	[smem:$0x3FB7] =	sst s0  }
0x18: {  	s0 =	sld [smem:$0x3F9A];
	_ =	swait.ge [sflag:s4], $0x0  }
0x19: {  	s7 =	sld [smem:$0x3F9B]  }
0x1a: {  	s8 =	sadd.s32 $0xFFFFE003, lr  }
0x1b: {  	s9 =	sadd.s32 $0xFFFFFEF7, lr;
	s5 =	simm.s32 $0xFFFFFFFF;
	p2 =	slt.u32 s8, $0xFFFFF086  }
0x1c: {  	p1 =	slt.u32 s9, $0xF7A;
	s5 =	simm.s32 @!p2 $0x0  }
0x1d: {  	s5 =	simm.s32 @p1 $0x1;
	p0 =	seq.s32 s7, s2  }
0x1e: {  	s7 =	smul.u32 @!p0 $0xF7A, s2;
	p2 =	seq.s32 @!p0 s5, $0x0  }
0x1f: {  	s9 =	smul.u32 $0xF7A, s1;
	s8 =	simm.s32 @!p0 $0x1BF5;
	p2 =	por !p2, p0  }
0x20: {  	[sflag:s8] =	ssyncset.s32 @!p0 $0xFFFFF086;
	s6 =	sadd.s32 @!p0 s3, s7;
	s7 =	simm.s32 @!p0 $0x108  }
0x21: {  	s3 =	sadd.s32 s3, s9;
	s6 =	sadd.s32 @!p0 $0x88, s6;
	s7 =	simm.s32 @p2 $0x1082  }
0x22: {  	[simem:s7], [sflag:s8] =	dma.local @!p0 [hbm:s6], $0xF7A  }
0x23: {  	s9 =	sor.u32 $0xD0000000, s2;
	s6 =	simm.s32 $0x108;
	_ =	swait.ge @!p0 [sflag:s8], $0x0  }
0x24: {  	s3 =	sadd.s32 $0x88, s3;
	s6 =	simm.s32 @!p1 $0x1082;
	[sflag:s4] =	ssyncset.s32 $0xFFFFF086  }
0x25: {  	[simem:s6], [sflag:s4] =	dma.local [hbm:s3], $0xF7A  }
0x26: {  	[smem:$0x3F9B] =	sst s1;
	(tag) =	ssettag s2;
	_ =	strace s9  }
0x27: {  	s1 =	sld [smem:$0x3FAB]  }
0x28: {  	s2 =	sld [smem:$0x3FAC]  }
0x29: {  	s4 =	sld [smem:$0x3FAE]  }
0x2a: {  	p0 =	seq.s32 s5, $0x0;
	s5 =	sld [smem:$0x3FAF]  }
0x2b: {  	s6 =	sld [smem:$0x3FB0]  }
0x2c: {  	s7 =	sld [smem:$0x3FB1]  }
0x2d: {  	s3 =	simm.s32 $0x108;
	s8 =	sld [smem:$0x3FB2]  }
0x2e: {  	s3 =	simm.s32 @!p0 $0x1082;
	s9 =	sld [smem:$0x3FB3]  }
0x2f: {  	lr =	sadd.s32 s0, s3;
	s0 =	sld [smem:$0x3FAA]  }
0x30: {  	s3 =	sld [smem:$0x3FAD]  }
0x31: {  	[smem:$0x3FB6] =	sst s10  }
0x32: {  	s10 =	sld [smem:$0x3FB4];
	_ =	sdelay $0x3  }
0x33: {  	p0 =	seq.s32 s10, $0x1;
	s10 =	sld [smem:$0x3FB6];
	_ =	sdelay $0x3  }
0x34: {  	[smem:$0x3FB6] =	sst s10  }
0x35: {  	s10 =	sld [smem:$0x3FB5];
	_ =	sdelay $0x3  }
0x36: {  	p1 =	seq.s32 s10, $0x1;
	s10 =	sld [smem:$0x3FB6];
	_ =	sdelay $0x3  }
0x37: {  	[smem:$0x3FB6] =	sst s10  }
0x38: {  	s10 =	sld [smem:$0x3FB7]  }
0x39: {  	_ = 	snop;
	(pc) =	sbr.ind lr, $3  }
0x3a: {  	_ = 	snop  }
0x3b: {  	_ = 	snop  }
0x3c: {  	p2 =	seq.s32 s10, $0x1;
	s10 =	sld [smem:$0x3FB6]  }
0x3d: {  	_ =	shalt  }
0x3e: {  	_ =	shalt  }
0x3f: {  	_ =	shalt  }
0x40: {  	_ =	shalt  }
0x41: {  	_ =	shalt  }
0x42: {  	_ =	shalt  }
0x43: {  	_ =	shalt  }
0x44: {  	_ =	shalt  }
0x45: {  	_ =	shalt  }
0x46: {  	_ =	shalt  }
0x47: {  	_ =	shalt  }
0x48: {  	_ =	shalt  }
0x49: {  	_ =	shalt  }
0x4a: {  	_ =	shalt  }
0x4b: {  	_ =	shalt  }
0x4c: {  	_ =	shalt  }
0x4d: {  	_ =	shalt  }
0x4e: {  	_ =	shalt  }
0x4f: {  	_ =	shalt  }
0x50: {  	_ =	shalt  }
0x51: {  	_ =	shalt  }
0x52: {  	_ =	shalt  }
0x53: {  	_ =	shalt  }
0x54: {  	_ =	shalt  }
0x55: {  	_ =	shalt  }
0x56: {  	_ =	shalt  }
0x57: {  	_ =	shalt  }
0x58: {  	_ =	shalt  }
0x59: {  	_ =	shalt  }
0x5a: {  	_ =	shalt  }
0x5b: {  	_ =	shalt  }
0x5c: {  	_ =	shalt  }
0x5d: {  	_ =	shalt  }
0x5e: {  	_ =	shalt  }
0x5f: {  	_ =	shalt  }
0x60: {  	_ =	shalt  }
0x61: {  	_ =	shalt  }
0x62: {  	_ =	shalt  }
0x63: {  	_ =	shalt  }
0x64: {  	_ =	shalt  }
0x65: {  	_ =	shalt  }
0x66: {  	_ =	shalt  }
0x67: {  	_ =	shalt  }
0x68: {  	_ =	shalt  }
0x69: {  	_ =	shalt  }
0x6a: {  	_ =	shalt  }
0x6b: {  	_ =	shalt  }
0x6c: {  	_ =	shalt  }
0x6d: {  	_ =	shalt  }
0x6e: {  	_ =	shalt  }
0x6f: {  	_ =	shalt  }
0x70: {  	_ =	shalt  }
0x71: {  	_ =	shalt  }
0x72: {  	_ =	shalt  }
0x73: {  	_ =	shalt  }
0x74: {  	_ =	shalt  }
0x75: {  	_ =	shalt  }
0x76: {  	_ =	shalt  }
0x77: {  	_ =	shalt  }
0x78: {  	_ =	shalt  }
0x79: {  	_ =	shalt  }
0x7a: {  	_ =	shalt  }
0x7b: {  	_ =	shalt  }
0x7c: {  	_ =	shalt  }
0x7d: {  	_ =	shalt  }
0x7e: {  	_ =	shalt  }
0x7f: {  	_ =	shalt  }
0x80: {  	_ =	shalt  }
0x81: {  	_ =	shalt  }
0x82: {  	_ =	shalt  }
0x83: {  	_ =	shalt  }
0x84: {  	_ =	shalt  }
0x85: {  	_ =	shalt  }
0x86: {  	_ =	shalt  }
0x87: {  	_ =	shalt  }
.Lfunc_end0:
.L_simem_size_0:
called_computation.1_lowered:
.L_overlay_start_0:
0x88: {  	s2 =	sld [smem:$0x3FD9]  }
0x89: {  	s3 =	sld [smem:$0x3FFE];
	_ =	sdelay $0x1  }
0x8a: {  	s1 =	srdreg.scid  }
0x8b: {  	s0 =	sand.u32 $0x1, s1  }
0x8c: {  	s17 =	sshll.u32 s0, $0xA;
	s2 =	sadd.s32 s3, s2  }
0x8d: {  	s2 =	sadd.s32 s2, s17  }
0x8e: {  	[smem:$0x3FC2] =	sst s2  }
0x8f: {  	_ = 	snop  }
0x90: {  	s2 =	sld [smem:$0x3FD0];
	(tm) =	ssettm $0x1  }
0x91: {  	s18 =	sld [smem:$0x3FFB];
	_ =	sdelay $0x3  }
0x92: {  	_ =	strace s18  }
0x93: {  	s3 =	sld [smem:$0x3FFC];
	_ =	sdelay $0x3  }
0x94: {  	_ =	strace s3  }
0x95: {  	s3 =	sld [smem:$0x3FFD];
	_ =	sdelay $0x3  }
0x96: {  	_ =	strace s3  }
0x97: {  	_ =	strace $0x8FFFFFFF  }
0x98: {  	s19 =	sld [smem:$0x3FDB];
	_ =	sdelay $0x1  }
0x99: {  	s4 =	simm.s32 $_scs_section_size  }
0x9a: {  	s5 =	simm.s32 $_size__tile_overlayer_lowered;
	s6 =	simm.s32 $_tile_overlayer_lowered  }
0x9b: {  	s22 =	simm.s32 $0x1BFF;
	s21 =	sshll.u32 s6, $0x1;
	s3 =	sadd.s32 s4, s19  }
0x9c: {  	s7 =	simm.s32 $0x0;
	s20 =	sshll.u32 s5, $0x1;
	s5 =	sadd.s32 s21, s3  }
0x9d: {  	[timem:s7], [sflag:s22] =	dma.local [hbm:s5], s20  }
0x9e: {  	_ =	swait.ge [sflag:s22], s20  }
0x9f: {  	s4 =	ssub.s32 $0x0, s20;
	[sflag:s22] =	ssyncset.done $0x0  }
0xa0: {  	[sflag:s22] =	ssyncadd.s32 s4;
	_ =	sdelay $0x1  }
0xa1: {  	s23 =	simm.s32 $0x1B8B  }
0xa2: {  	_ =	swait.ge [sflag:s23], $0x1  }
0xa3: {  	[sflag:s23] =	ssyncset.done $0x0  }
0xa4: {  	s25 =	simm.s32 $0x1B8E;
	s24 =	sld [smem:$0x3FFE];
	[sflag:s23] =	ssyncadd.s32 $0xFFFFFFFF  }
0xa5: {  	s26 =	simm.s32 $execute0_lowered;
	[smem:$0x3FD2] =	sst s25  }
0xa6: {  	s5 =	sshll.u32 s26, $0x1;
	_ =	strace $0x80000049;
	[dreg:$0x1] =	wrdreg $0xFFFFFFFF  }
0xa7: {  	s28 =	simm.s32 $_size_execute0_lowered;
	s3 =	sadd.s32 s3, s5;
	[dreg:$0x0] =	wrdreg $0x0  }
0xa8: {  	s5 =	sshll.u32 s28, $0x1;
	[dreg:$0x2] =	wrdreg s3  }
0xa9: {  	[dreg:$0x3] =	wrdreg s5  }
0xaa: {  	[dreg:$0x4] =	wrdreg $0xC0  }
0xab: {  	_ =	task [dreg:s7], $0x5FFFF  }
0xac: {  	[dreg:$0x1] =	wrdreg $0xFFFFFFFF  }
0xad: {  	[dreg:$0x0] =	wrdreg $0x60  }
0xae: {  	[dreg:$0x2] =	wrdreg s24  }
0xaf: {  	[dreg:$0x3] =	wrdreg s2  }
0xb0: {  	[dreg:$0x4] =	wrdreg $0xA8000  }
0xb1: {  	[dreg:$0x5] =	wrdreg $0x9  }
0xb2: {  	_ =	task.clear_ibuf [dreg:s7], $0x6FFFF;
	_ =	strace $0x90000049  }
0xb3: {  	s29 =	simm.s32 $0x9;
	_ =	strace $0x8000004B  }
0xb4: {  	_ =	swait.ge [sflag:s29], $0x1  }
0xb5: {  	[sflag:s29] =	ssyncadd.s32 $0xFFFFFFFF  }
0xb6: {  	_ =	strace $0x9000004B  }
0xb7: {  	_ =	sfence  }
0xb8: {  	s30 =	sld [smem:$0x0];
	_ =	sdelay $0x2  }
0xb9: {  	s31 =	sshll.u32 s1, $0xD;
	s1 =	sshrl.u32 s1, $0x2  }
0xba: {  	s3 =	sand.u32 $0x4000, s31;
	s1 =	sadd.s32 s1, s30  }
0xbb: {  	s0 =	sor.u32 s3, s0;
	s1 =	sshll.u32 s1, $0x11  }
0xbc: {  	s0 =	sor.u32 s1, s0  }
0xbd: {  	s0 =	sadd.s32 $0x8F2B, s0  }
0xbe: {  	[sflag:s0] =	ssyncadd.remote.s32 $0x1  }
0xbf: {  	_ =	sfence.sel $0xFFFF  }
0xc0: {  	[dreg:$0x0] =	wrdreg $0xFFFFFFFF;
	(pc) =	sbr.abs _section_cstart, $3  }
0xc1: {  	[dreg:$0x1] =	wrdreg $0xFFFFFFFF  }
0xc2: {  	_ =	task.clear_ibuf [dreg:s7], $0x2FFFF;
	_ =	strace $0x9FFFFFFF  }
0xc3: {  	(tm) =	ssettm $0x7FFFFFFF  }
tec
execute0_lowered:
.L_overlay_start_1:
0x0: {  	(tag) =	ssettag $0x1  }
0x1: {  	s5 =	rddreg [dreg:$0x0]  }
0x2: {  	s9 =	rddreg [dreg:$0x1]  }
0x3: {  	s2 =	rddreg [dreg:$0x2]  }
0x4: {  	s0 =	rddreg [dreg:$0x3]  }
0x5: {  	s1 =	stileid.u32;
	s3 =	simm.s32 $0x0;
	s4 =	srdreg.scid  }
0x6: {  	s17 =	simm.s32 $0x2800;
	s18 =	simm.s32 $0x1;
	s19 =	simm.s32 $0x6800  }
0x7: {  	s20 =	simm.s32 $0x2;
	s21 =	simm.s32 $0x1380;
	s22 =	simm.s32 $0x2700  }
0x8: {  	s23 =	simm.s32 $0x2780;
	s24 =	simm.s32 $0x0;
	s6 =	smul.u32 $0x14000, s1  }
0x9: {  	[smem:$0x7FF] =	sst s3;
	s7 =	sand.u32 $0x1, s4;
	s4 =	sadd.s32 $0x22000, s5  }
0xa: {  	s11 =	sadd.s32 $0x18000, s5;
	s25 =	sshll.u32 s1, $0x1;
	s12 =	smul.u32 $0x50000, s1  }
0xb: {  	s28 =	sshll.u32 s1, $0x6;
	_ =	strace $0x8000004A;
	s10 =	smul.u32 $0x140000, s7  }
0xc: {  	s13 =	ssub.s32 $0x2, s7;
	s7 =	sor.u32 s7, s25;
	s8 =	sshrl.u32 s6, $0x3  }
0xd: {  	s26 =	sshrl.u32 s13, $0x1;
	s12 =	sshrl.u32 s12, $0x2;
	s14 =	smul.u32 $0x2800, s7  }
0xe: {  	s29 =	smul.u32 $0x500, s7;
	s8 =	sadd.s32 s8, s5;
	s6 =	sadd.s32 s6, s10  }
0xf: {  	s13 =	ssub.s32 s13, s26;
	s16 =	sadd.s32 s12, s2;
	s6 =	sshrl.u32 s6, $0x3  }
0x10: {  	s30 =	sshrl.u32 s14, $0x3;
	s7 =	sadd.s32 s9, s29;
	s12 =	smax.u32 s13, $0x1  }
0x11: {  	s13 =	sshrl.u32 s16, $0x3;
	s14 =	simm.s32 $0x3;
	s16 =	simm.s32 $0x7D  }
0x12: {  	s15 =	sadd.s32 s6, s5;
	s5 =	sadd.s32 $0x49200, s8;
	s31 =	sadd.s32 $0x280, s30  }
0x13: {  	s6 =	sor.u32 $0x1C03, s28;
	s8 =	sadd.s32 s11, s29;
	s9 =	sadd.s32 s9, s31  }
0x14: {  	s10 =	sadd.s32 s11, s31;
	s11 =	sadd.s32 $0x71200, s15;
	s15 =	simm.s32 $0x1400  }
.LBB2_1:
0x15: {  	[spmem:s13], [sflag:s6] =	dma.local [hbm:s5], $0x2800  }
0x16: {  	_ =	swait.ge [sflag:s14], $0x2800  }
0x17: {  	[sflag:s14] =	ssyncset.done $0x0  }
0x18: {  	[sflag:s14] =	ssyncadd.s32 $0xFFFFD800  }
0x19: {  	[bflag:$0x0] =	sbarrier.arrive $0xFFFF  }
0x1a: {  	[tilespmem:s3], [sflag:$0x3] =	stream.linear.gather [hbm4b:s7+s3], $0x1400, $0x38;
	[tilespmem:$0x1E800] =	vst v63  }
0x1b: {  	_ =	swait.ge [sflag:s14], $0x1400  }
0x1c: {  	[sflag:s14] =	ssyncset.done $0x0  }
0x1d: {  	[sflag:s14] =	ssyncadd.s32 $0xFFFFEC00  }
0x1e: {  	[tilespmem:s15], [sflag:$0x3] =	stream.linear.gather [hbm4b:s8+s3], $0x1400, $0x38;
	[tilespmem:$0x1E800] =	vst v63  }
0x1f: {  	_ =	swait.ge [sflag:s14], $0x1400  }
0x20: {  	[sflag:s14] =	ssyncset.done $0x0  }
0x21: {  	[sflag:s14] =	ssyncadd.s32 $0xFFFFEC00  }
0x22: {  	[tilespmem:s17], [sflag:$0x1] =	stream.indirect.gather [hbm4b:s4+s16], $0x80, s3, s16, $0xb8;
	[tilespmem:$0x1E800] =	vst v63  }
0x23: {  	_ =	swait.ge [sflag:s18], $0x3E80  }
0x24: {  	[sflag:s18] =	ssyncset.done $0x0  }
0x25: {  	s25 =	simm.s32 $0x80;
	[sflag:s18] =	ssyncadd.s32 $0xFFFFC180  }
0x26: {  	[tilespmem:s19], [sflag:$0x2] =	stream.indirect.gather [hbm4b:s4+s16], $0x80, s25, s16, $0xb8;
	[tilespmem:$0x1E800] =	vst v63  }
0x27: {  	s29 =	simm.s32 $0x1400  }
0x28: {  	[spmem:s2] =	stream.indirect.scatter.add.f32 [tilespmem:s17], [sflag:$0x3], $0x80, s29, s16, $0xb8;
	[tilespmem:$0x1E800] =	vst v63  }
0x29: {  	_ =	swait.ge [sflag:s14], $0x3E80  }
0x2a: {  	[sflag:s14] =	ssyncset.done $0x0  }
0x2b: {  	[sflag:s14] =	ssyncadd.s32 $0xFFFFC180  }
0x2c: {  	_ =	swait.ge [sflag:s20], $0x3E80  }
0x2d: {  	[sflag:s20] =	ssyncset.done $0x0  }
0x2e: {  	s30 =	simm.s32 $0x100;
	[sflag:s20] =	ssyncadd.s32 $0xFFFFC180  }
0x2f: {  	[tilespmem:s17], [sflag:$0x1] =	stream.indirect.gather [hbm4b:s4+s16], $0x80, s30, s16, $0xb8;
	[tilespmem:$0x1E800] =	vst v63  }
0x30: {  	s31 =	simm.s32 $0x1480  }
0x31: {  	[spmem:s2] =	stream.indirect.scatter.add.f32 [tilespmem:s19], [sflag:$0x3], $0x80, s31, s16, $0xb8;
	[tilespmem:$0x1E800] =	vst v63  }
0x32: {  	_ =	swait.ge [sflag:s14], $0x3E80  }
0x33: {  	s25 =	simm.s32 $0x400;
	[sflag:s14] =	ssyncset.done $0x0  }
.LBB2_2:
0x34: {  	p0 =	sne.s32 s25, $0x4800  }
0x35: {  	[sflag:s14] =	ssyncadd.s32 $0xFFFFC180;
	s26 =	smov.u32 s25;
	s25 =	sadd.s32 $0x400, s25  }
0x36: {  	_ = 	snop  }
0x37: {  	_ =	swait.ge [sflag:s18], $0x3E80  }
0x38: {  	s26 =	sshra.s32 s26, $0x2;
	[sflag:s18] =	ssyncset.done $0x0  }
0x39: {  	s28 =	sadd.s32 $0x80, s26;
	[sflag:s18] =	ssyncadd.s32 $0xFFFFC180  }
0x3a: {  	[tilespmem:s19], [sflag:$0x2] =	stream.indirect.gather [hbm4b:s4+s16], $0x80, s28, s16, $0xb8;
	[tilespmem:$0x1E800] =	vst v63  }
0x3b: {  	s28 =	sadd.s32 $0x1400, s26  }
0x3c: {  	[spmem:s2] =	stream.indirect.scatter.add.f32 [tilespmem:s17], [sflag:$0x3], $0x80, s28, s16, $0xb8;
	[tilespmem:$0x1E800] =	vst v63  }
0x3d: {  	_ =	swait.ge [sflag:s14], $0x3E80  }
0x3e: {  	[sflag:s14] =	ssyncset.done $0x0  }
0x3f: {  	[sflag:s14] =	ssyncadd.s32 $0xFFFFC180  }
0x40: {  	_ =	swait.ge [sflag:s20], $0x3E80  }
0x41: {  	[sflag:s20] =	ssyncset.done $0x0  }
0x42: {  	s28 =	sadd.s32 $0x100, s26;
	[sflag:s20] =	ssyncadd.s32 $0xFFFFC180  }
0x43: {  	[tilespmem:s17], [sflag:$0x1] =	stream.indirect.gather [hbm4b:s4+s16], $0x80, s28, s16, $0xb8;
	[tilespmem:$0x1E800] =	vst v63  }
.Ltmp0:
0x44: {  	_ = 	snop;
	(pc) =	sbr.rel @p0 .LBB2_2-.Ltmp0, $4  }
0x45: {  	s26 =	sadd.s32 $0x1480, s26  }
0x46: {  	[spmem:s2] =	stream.indirect.scatter.add.f32 [tilespmem:s19], [sflag:$0x3], $0x80, s26, s16, $0xb8;
	[tilespmem:$0x1E800] =	vst v63  }
0x47: {  	_ =	swait.ge [sflag:s14], $0x3E80  }
0x48: {  	[sflag:s14] =	ssyncset.done $0x0  }
0x49: {  	[sflag:s14] =	ssyncadd.s32 $0xFFFFC180  }
0x4a: {  	_ =	swait.ge [sflag:s18], $0x3E80  }
0x4b: {  	[sflag:s18] =	ssyncset.done $0x0  }
0x4c: {  	[sflag:s18] =	ssyncadd.s32 $0xFFFFC180  }
0x4d: {  	[tilespmem:s19], [sflag:$0x2] =	stream.indirect.gather [hbm4b:s4+s16], $0x80, s21, s16, $0xb8;
	[tilespmem:$0x1E800] =	vst v63  }
0x4e: {  	_ = 	snop  }
0x4f: {  	[spmem:s2] =	stream.indirect.scatter.add.f32 [tilespmem:s17], [sflag:$0x3], $0x80, s22, s16, $0xb8;
	[tilespmem:$0x1E800] =	vst v63  }
0x50: {  	_ =	swait.ge [sflag:s14], $0x3E80  }
0x51: {  	[sflag:s14] =	ssyncset.done $0x0  }
0x52: {  	[sflag:s14] =	ssyncadd.s32 $0xFFFFC180  }
0x53: {  	_ =	swait.ge [sflag:s20], $0x3E80  }
0x54: {  	[sflag:s20] =	ssyncset.done $0x0  }
0x55: {  	[sflag:s20] =	ssyncadd.s32 $0xFFFFC180  }
0x56: {  	[spmem:s2] =	stream.indirect.scatter.add.f32 [tilespmem:s19], [sflag:$0x3], $0x80, s23, s16, $0xb8;
	[tilespmem:$0x1E800] =	vst v63  }
0x57: {  	_ =	swait.ge [sflag:s14], $0x3E80  }
0x58: {  	[sflag:s14] =	ssyncset.done $0x0  }
0x59: {  	s25 =	simm.s32 $0x0;
	[sflag:s14] =	ssyncadd.s32 $0xFFFFC180  }
0x5a: {  	[tilespmem:s25], [sflag:$0x3] =	stream.linear.gather [hbm4b:s9+s25], $0x1400, $0x38;
	[tilespmem:$0x1E800] =	vst v63  }
0x5b: {  	_ =	swait.ge [sflag:s14], $0x1400  }
0x5c: {  	[sflag:s14] =	ssyncset.done $0x0  }
0x5d: {  	[sflag:s14] =	ssyncadd.s32 $0xFFFFEC00  }
0x5e: {  	[tilespmem:s15], [sflag:$0x3] =	stream.linear.gather [hbm4b:s10+s25], $0x1400, $0x38;
	[tilespmem:$0x1E800] =	vst v63  }
0x5f: {  	_ =	swait.ge [sflag:s14], $0x1400  }
0x60: {  	[sflag:s14] =	ssyncset.done $0x0  }
0x61: {  	[sflag:s14] =	ssyncadd.s32 $0xFFFFEC00  }
0x62: {  	[tilespmem:s17], [sflag:$0x1] =	stream.indirect.gather [hbm4b:s4+s16], $0x80, s25, s16, $0xb8;
	[tilespmem:$0x1E800] =	vst v63  }
0x63: {  	_ =	swait.ge [sflag:s18], $0x3E80  }
0x64: {  	[sflag:s18] =	ssyncset.done $0x0  }
0x65: {  	s28 =	simm.s32 $0x80;
	[sflag:s18] =	ssyncadd.s32 $0xFFFFC180  }
0x66: {  	[tilespmem:s19], [sflag:$0x2] =	stream.indirect.gather [hbm4b:s4+s16], $0x80, s28, s16, $0xb8;
	[tilespmem:$0x1E800] =	vst v63  }
0x67: {  	s29 =	simm.s32 $0x1400  }
0x68: {  	[spmem:s2] =	stream.indirect.scatter.add.f32 [tilespmem:s17], [sflag:$0x3], $0x80, s29, s16, $0xb8;
	[tilespmem:$0x1E800] =	vst v63  }
0x69: {  	_ =	swait.ge [sflag:s14], $0x3E80  }
0x6a: {  	[sflag:s14] =	ssyncset.done $0x0  }
0x6b: {  	[sflag:s14] =	ssyncadd.s32 $0xFFFFC180  }
0x6c: {  	_ =	swait.ge [sflag:s20], $0x3E80  }
0x6d: {  	[sflag:s20] =	ssyncset.done $0x0  }
0x6e: {  	s30 =	simm.s32 $0x100;
	[sflag:s20] =	ssyncadd.s32 $0xFFFFC180  }
0x6f: {  	[tilespmem:s17], [sflag:$0x1] =	stream.indirect.gather [hbm4b:s4+s16], $0x80, s30, s16, $0xb8;
	[tilespmem:$0x1E800] =	vst v63  }
0x70: {  	s31 =	simm.s32 $0x1480  }
0x71: {  	[spmem:s2] =	stream.indirect.scatter.add.f32 [tilespmem:s19], [sflag:$0x3], $0x80, s31, s16, $0xb8;
	[tilespmem:$0x1E800] =	vst v63  }
0x72: {  	_ =	swait.ge [sflag:s14], $0x3E80  }
0x73: {  	s25 =	simm.s32 $0x400;
	[sflag:s14] =	ssyncset.done $0x0  }
.LBB2_4:
0x74: {  	p0 =	sne.s32 s25, $0x4800  }
0x75: {  	[sflag:s14] =	ssyncadd.s32 $0xFFFFC180;
	s26 =	smov.u32 s25;
	s25 =	sadd.s32 $0x400, s25  }
0x76: {  	_ = 	snop  }
0x77: {  	_ =	swait.ge [sflag:s18], $0x3E80  }
0x78: {  	s26 =	sshra.s32 s26, $0x2;
	[sflag:s18] =	ssyncset.done $0x0  }
0x79: {  	s28 =	sadd.s32 $0x80, s26;
	[sflag:s18] =	ssyncadd.s32 $0xFFFFC180  }
0x7a: {  	[tilespmem:s19], [sflag:$0x2] =	stream.indirect.gather [hbm4b:s4+s16], $0x80, s28, s16, $0xb8;
	[tilespmem:$0x1E800] =	vst v63  }
0x7b: {  	s28 =	sadd.s32 $0x1400, s26  }
0x7c: {  	[spmem:s2] =	stream.indirect.scatter.add.f32 [tilespmem:s17], [sflag:$0x3], $0x80, s28, s16, $0xb8;
	[tilespmem:$0x1E800] =	vst v63  }
0x7d: {  	_ =	swait.ge [sflag:s14], $0x3E80  }
0x7e: {  	[sflag:s14] =	ssyncset.done $0x0  }
0x7f: {  	[sflag:s14] =	ssyncadd.s32 $0xFFFFC180  }
0x80: {  	_ =	swait.ge [sflag:s20], $0x3E80  }
0x81: {  	[sflag:s20] =	ssyncset.done $0x0  }
0x82: {  	s28 =	sadd.s32 $0x100, s26;
	[sflag:s20] =	ssyncadd.s32 $0xFFFFC180  }
0x83: {  	[tilespmem:s17], [sflag:$0x1] =	stream.indirect.gather [hbm4b:s4+s16], $0x80, s28, s16, $0xb8;
	[tilespmem:$0x1E800] =	vst v63  }
.Ltmp1:
0x84: {  	_ = 	snop;
	(pc) =	sbr.rel @p0 .LBB2_4-.Ltmp1, $4  }
0x85: {  	s26 =	sadd.s32 $0x1480, s26  }
0x86: {  	[spmem:s2] =	stream.indirect.scatter.add.f32 [tilespmem:s19], [sflag:$0x3], $0x80, s26, s16, $0xb8;
	[tilespmem:$0x1E800] =	vst v63  }
0x87: {  	_ =	swait.ge [sflag:s14], $0x3E80  }
0x88: {  	[sflag:s14] =	ssyncset.done $0x0  }
0x89: {  	[sflag:s14] =	ssyncadd.s32 $0xFFFFC180  }
0x8a: {  	_ =	swait.ge [sflag:s18], $0x3E80  }
0x8b: {  	[sflag:s18] =	ssyncset.done $0x0  }
0x8c: {  	[sflag:s18] =	ssyncadd.s32 $0xFFFFC180  }
0x8d: {  	[tilespmem:s19], [sflag:$0x2] =	stream.indirect.gather [hbm4b:s4+s16], $0x80, s21, s16, $0xb8;
	[tilespmem:$0x1E800] =	vst v63  }
0x8e: {  	_ = 	snop  }
0x8f: {  	[spmem:s2] =	stream.indirect.scatter.add.f32 [tilespmem:s17], [sflag:$0x3], $0x80, s22, s16, $0xb8;
	[tilespmem:$0x1E800] =	vst v63  }
0x90: {  	_ =	swait.ge [sflag:s14], $0x3E80  }
0x91: {  	[sflag:s14] =	ssyncset.done $0x0  }
0x92: {  	[sflag:s14] =	ssyncadd.s32 $0xFFFFC180  }
0x93: {  	_ =	swait.ge [sflag:s20], $0x3E80  }
0x94: {  	[sflag:s20] =	ssyncset.done $0x0  }
0x95: {  	[sflag:s20] =	ssyncadd.s32 $0xFFFFC180  }
0x96: {  	[spmem:s2] =	stream.indirect.scatter.add.f32 [tilespmem:s19], [sflag:$0x3], $0x80, s23, s16, $0xb8;
	[tilespmem:$0x1E800] =	vst v63  }
0x97: {  	_ =	swait.ge [sflag:s14], $0x3E80  }
0x98: {  	s24 =	sadd.s32 $0x1, s24;
	[sflag:s14] =	ssyncset.done $0x0  }
0x99: {  	p0 =	sne.s32 s24, s12;
	[sflag:s14] =	ssyncadd.s32 $0xFFFFC180  }
.Ltmp2:
0x9a: {  	[bflag:$0x0] =	sbarrier.arrive $0xFFFF;
	(pc) =	sbr.rel @p0 .LBB2_1-.Ltmp2, $4  }
0x9b: {  	[hbm:s11], [sflag:s6] =	dma.local [spmem:s13], $0x2800  }
0x9c: {  	_ =	swait.ge [sflag:s14], $0x2800  }
0x9d: {  	[sflag:s14] =	ssyncset.done $0x0  }
0x9e: {  	[sflag:s14] =	ssyncadd.s32 $0xFFFFD800  }
0x9f: {  	_ =	sfence.sel $0x180000  }
0xa0: {  	[bflag:$0x0] =	sbarrier.arrive $0xFFFF  }
0xa1: {  	p0 =	sne.s32 s1, $0x0;
	_ =	strace $0x9000004A  }
0xa2: {  	s0 =	sadd.s32 @!p0 $0x100000, s0;
	[bflag:$0x2] =	sbarrier.arrive $0xFFFF  }
0xa3: {  	[sflag:s0] =	ssyncadd.tile.s32 @!p0 $0x1;
	_ =	shalt  }
.Lfunc_end2:
_tile_overlayer_lowered:
.L_overlay_start_2:
0xa4: {  	(tag) =	ssettag $0x2  }
0xa5: {  	s0 =	rddreg [dreg:$0x0];
	s2 =	stileid.u32  }
0xa6: {  	s1 =	rddreg [dreg:$0x1];
	p0 =	sne.s32 s2, $0x0  }
0xa7: {  	s3 =	rddreg [dreg:$0x2];
	[bflag:$0x3] =	sbarrier.arrive $0xFFFF;
	s2 =	simm.s32 @!p0 $0x1C03  }
0xa8: {  	[timem:s3], [sflag:s2] =	dma.local @!p0 [hbm:s0], s1  }
0xa9: {  	s0 =	simm.s32 @!p0 $0x3  }
0xaa: {  	_ =	swait.ge @!p0 [sflag:s0], s1  }
0xab: {  	s1 =	ssub.s32 @!p0 $0x0, s1;
	[sflag:s0] =	ssyncset.done @!p0 $0x0  }
0xac: {  	[sflag:s0] =	ssyncadd.s32 @!p0 s1  }
0xad: {  	[bflag:$0x3] =	sbarrier.arrive $0xFFFF  }
0xae: {  	_ =	shalt  }

// kernel: kernel.14.cloned.1.call-start
scs
__scs_entry_jumppad:
0x0: {  	(pc) =	sbr.rel $0x88, $3  }
0x1: {  	(tag) =	ssettag $0x0;
	lr =	simm.s32 $0x1  }
0x2: {  	[smem:$0x3F9B] =	sst lr;
	_ =	strace $0xD0000000  }
0x3: {  	_ = 	snop  }
0x4: {  	_ = 	snop  }
0x5: {  	_ = 	snop  }
0x6: {  	_ = 	snop  }
0x7: {  	_ = 	snop  }
__scs_overlays_trampoline_lowered:
0x8: {  	[smem:$0x3FAA] =	sst s0  }
0x9: {  	[smem:$0x3FAB] =	sst s1  }
0xa: {  	[smem:$0x3FAC] =	sst s2  }
0xb: {  	[smem:$0x3FAD] =	sst s3  }
0xc: {  	[smem:$0x3FAE] =	sst s4  }
0xd: {  	[smem:$0x3FAF] =	sst s5  }
0xe: {  	[smem:$0x3FB0] =	sst s6  }
0xf: {  	[smem:$0x3FB1] =	sst s7  }
0x10: {  	[smem:$0x3FB2] =	sst s8  }
0x11: {  	[smem:$0x3FB3] =	sst s9;
	s0 =	simm.s32 @!p0 $0x0  }
0x12: {  	s1 =	sld [smem:$0x3F99];
	s0 =	simm.s32 @p0 $0x1  }
0x13: {  	[smem:$0x3FB4] =	sst s0;
	s0 =	simm.s32 @!p1 $0x0  }
0x14: {  	s2 =	sld [smem:$0x3F98];
	s0 =	simm.s32 @p1 $0x1  }
0x15: {  	[smem:$0x3FB5] =	sst s0;
	s0 =	simm.s32 @!p2 $0x0  }
0x16: {  	s3 =	sld [smem:$0x3FDB];
	s0 =	simm.s32 @p2 $0x1  }
0x17: {  	s4 =	simm.s32 $0x1BF5;
	[smem:$0x3FB7] =	sst s0  }
0x18: {  	s0 =	sld [smem:$0x3F9A];
	_ =	swait.ge [sflag:s4], $0x0  }
0x19: {  	s7 =	sld [smem:$0x3F9B]  }
0x1a: {  	s8 =	sadd.s32 $0xFFFFE003, lr  }
0x1b: {  	s9 =	sadd.s32 $0xFFFFFEF7, lr;
	s5 =	simm.s32 $0xFFFFFFFF;
	p2 =	slt.u32 s8, $0xFFFFF086  }
0x1c: {  	p1 =	slt.u32 s9, $0xF7A;
	s5 =	simm.s32 @!p2 $0x0  }
0x1d: {  	s5 =	simm.s32 @p1 $0x1;
	p0 =	seq.s32 s7, s2  }
0x1e: {  	s7 =	smul.u32 @!p0 $0xF7A, s2;
	p2 =	seq.s32 @!p0 s5, $0x0  }
0x1f: {  	s9 =	smul.u32 $0xF7A, s1;
	s8 =	simm.s32 @!p0 $0x1BF5;
	p2 =	por !p2, p0  }
0x20: {  	[sflag:s8] =	ssyncset.s32 @!p0 $0xFFFFF086;
	s6 =	sadd.s32 @!p0 s3, s7;
	s7 =	simm.s32 @!p0 $0x108  }
0x21: {  	s3 =	sadd.s32 s3, s9;
	s6 =	sadd.s32 @!p0 $0x88, s6;
	s7 =	simm.s32 @p2 $0x1082  }
0x22: {  	[simem:s7], [sflag:s8] =	dma.local @!p0 [hbm:s6], $0xF7A  }
0x23: {  	s9 =	sor.u32 $0xD0000000, s2;
	s6 =	simm.s32 $0x108;
	_ =	swait.ge @!p0 [sflag:s8], $0x0  }
0x24: {  	s3 =	sadd.s32 $0x88, s3;
	s6 =	simm.s32 @!p1 $0x1082;
	[sflag:s4] =	ssyncset.s32 $0xFFFFF086  }
0x25: {  	[simem:s6], [sflag:s4] =	dma.local [hbm:s3], $0xF7A  }
0x26: {  	[smem:$0x3F9B] =	sst s1;
	(tag) =	ssettag s2;
	_ =	strace s9  }
0x27: {  	s1 =	sld [smem:$0x3FAB]  }
0x28: {  	s2 =	sld [smem:$0x3FAC]  }
0x29: {  	s4 =	sld [smem:$0x3FAE]  }
0x2a: {  	p0 =	seq.s32 s5, $0x0;
	s5 =	sld [smem:$0x3FAF]  }
0x2b: {  	s6 =	sld [smem:$0x3FB0]  }
0x2c: {  	s7 =	sld [smem:$0x3FB1]  }
0x2d: {  	s3 =	simm.s32 $0x108;
	s8 =	sld [smem:$0x3FB2]  }
0x2e: {  	s3 =	simm.s32 @!p0 $0x1082;
	s9 =	sld [smem:$0x3FB3]  }
0x2f: {  	lr =	sadd.s32 s0, s3;
	s0 =	sld [smem:$0x3FAA]  }
0x30: {  	s3 =	sld [smem:$0x3FAD]  }
0x31: {  	[smem:$0x3FB6] =	sst s10  }
0x32: {  	s10 =	sld [smem:$0x3FB4];
	_ =	sdelay $0x3  }
0x33: {  	p0 =	seq.s32 s10, $0x1;
	s10 =	sld [smem:$0x3FB6];
	_ =	sdelay $0x3  }
0x34: {  	[smem:$0x3FB6] =	sst s10  }
0x35: {  	s10 =	sld [smem:$0x3FB5];
	_ =	sdelay $0x3  }
0x36: {  	p1 =	seq.s32 s10, $0x1;
	s10 =	sld [smem:$0x3FB6];
	_ =	sdelay $0x3  }
0x37: {  	[smem:$0x3FB6] =	sst s10  }
0x38: {  	s10 =	sld [smem:$0x3FB7]  }
0x39: {  	_ = 	snop;
	(pc) =	sbr.ind lr, $3  }
0x3a: {  	_ = 	snop  }
0x3b: {  	_ = 	snop  }
0x3c: {  	p2 =	seq.s32 s10, $0x1;
	s10 =	sld [smem:$0x3FB6]  }
0x3d: {  	_ =	shalt  }
0x3e: {  	_ =	shalt  }
0x3f: {  	_ =	shalt  }
0x40: {  	_ =	shalt  }
0x41: {  	_ =	shalt  }
0x42: {  	_ =	shalt  }
0x43: {  	_ =	shalt  }
0x44: {  	_ =	shalt  }
0x45: {  	_ =	shalt  }
0x46: {  	_ =	shalt  }
0x47: {  	_ =	shalt  }
0x48: {  	_ =	shalt  }
0x49: {  	_ =	shalt  }
0x4a: {  	_ =	shalt  }
0x4b: {  	_ =	shalt  }
0x4c: {  	_ =	shalt  }
0x4d: {  	_ =	shalt  }
0x4e: {  	_ =	shalt  }
0x4f: {  	_ =	shalt  }
0x50: {  	_ =	shalt  }
0x51: {  	_ =	shalt  }
0x52: {  	_ =	shalt  }
0x53: {  	_ =	shalt  }
0x54: {  	_ =	shalt  }
0x55: {  	_ =	shalt  }
0x56: {  	_ =	shalt  }
0x57: {  	_ =	shalt  }
0x58: {  	_ =	shalt  }
0x59: {  	_ =	shalt  }
0x5a: {  	_ =	shalt  }
0x5b: {  	_ =	shalt  }
0x5c: {  	_ =	shalt  }
0x5d: {  	_ =	shalt  }
0x5e: {  	_ =	shalt  }
0x5f: {  	_ =	shalt  }
0x60: {  	_ =	shalt  }
0x61: {  	_ =	shalt  }
0x62: {  	_ =	shalt  }
0x63: {  	_ =	shalt  }
0x64: {  	_ =	shalt  }
0x65: {  	_ =	shalt  }
0x66: {  	_ =	shalt  }
0x67: {  	_ =	shalt  }
0x68: {  	_ =	shalt  }
0x69: {  	_ =	shalt  }
0x6a: {  	_ =	shalt  }
0x6b: {  	_ =	shalt  }
0x6c: {  	_ =	shalt  }
0x6d: {  	_ =	shalt  }
0x6e: {  	_ =	shalt  }
0x6f: {  	_ =	shalt  }
0x70: {  	_ =	shalt  }
0x71: {  	_ =	shalt  }
0x72: {  	_ =	shalt  }
0x73: {  	_ =	shalt  }
0x74: {  	_ =	shalt  }
0x75: {  	_ =	shalt  }
0x76: {  	_ =	shalt  }
0x77: {  	_ =	shalt  }
0x78: {  	_ =	shalt  }
0x79: {  	_ =	shalt  }
0x7a: {  	_ =	shalt  }
0x7b: {  	_ =	shalt  }
0x7c: {  	_ =	shalt  }
0x7d: {  	_ =	shalt  }
0x7e: {  	_ =	shalt  }
0x7f: {  	_ =	shalt  }
0x80: {  	_ =	shalt  }
0x81: {  	_ =	shalt  }
0x82: {  	_ =	shalt  }
0x83: {  	_ =	shalt  }
0x84: {  	_ =	shalt  }
0x85: {  	_ =	shalt  }
0x86: {  	_ =	shalt  }
0x87: {  	_ =	shalt  }
.Lfunc_end0:
.L_simem_size_0:
called_computation.2_lowered:
.L_overlay_start_0:
0x88: {  	s2 =	sld [smem:$0x3FD9]  }
0x89: {  	s3 =	sld [smem:$0x3FFE];
	_ =	sdelay $0x1  }
0x8a: {  	s1 =	srdreg.scid  }
0x8b: {  	s0 =	sand.u32 $0x1, s1  }
0x8c: {  	s17 =	sshll.u32 s0, $0xA;
	s2 =	sadd.s32 s3, s2  }
0x8d: {  	s2 =	sadd.s32 s2, s17  }
0x8e: {  	[smem:$0x3FC2] =	sst s2  }
0x8f: {  	_ = 	snop  }
0x90: {  	s2 =	sld [smem:$0x3FD0];
	(tm) =	ssettm $0x1  }
0x91: {  	s18 =	sld [smem:$0x3FFB];
	_ =	sdelay $0x3  }
0x92: {  	_ =	strace s18  }
0x93: {  	s3 =	sld [smem:$0x3FFC];
	_ =	sdelay $0x3  }
0x94: {  	_ =	strace s3  }
0x95: {  	s3 =	sld [smem:$0x3FFD];
	_ =	sdelay $0x3  }
0x96: {  	_ =	strace s3  }
0x97: {  	_ =	strace $0x8FFFFFFF  }
0x98: {  	s19 =	sld [smem:$0x3FDB];
	_ =	sdelay $0x1  }
0x99: {  	s4 =	simm.s32 $_scs_section_size  }
0x9a: {  	s5 =	simm.s32 $_size__tile_overlayer_lowered;
	s6 =	simm.s32 $_tile_overlayer_lowered  }
0x9b: {  	s22 =	simm.s32 $0x1BFF;
	s21 =	sshll.u32 s6, $0x1;
	s3 =	sadd.s32 s4, s19  }
0x9c: {  	s7 =	simm.s32 $0x0;
	s20 =	sshll.u32 s5, $0x1;
	s5 =	sadd.s32 s21, s3  }
0x9d: {  	[timem:s7], [sflag:s22] =	dma.local [hbm:s5], s20  }
0x9e: {  	_ =	swait.ge [sflag:s22], s20  }
0x9f: {  	s4 =	ssub.s32 $0x0, s20;
	[sflag:s22] =	ssyncset.done $0x0  }
0xa0: {  	[sflag:s22] =	ssyncadd.s32 s4;
	_ =	sdelay $0x1  }
0xa1: {  	s23 =	simm.s32 $0x1B8B  }
0xa2: {  	_ =	swait.ge [sflag:s23], $0x1  }
0xa3: {  	[sflag:s23] =	ssyncset.done $0x0  }
0xa4: {  	s25 =	simm.s32 $0x1B8E;
	s24 =	sld [smem:$0x3FFE];
	[sflag:s23] =	ssyncadd.s32 $0xFFFFFFFF  }
0xa5: {  	s26 =	simm.s32 $execute0_lowered;
	[smem:$0x3FD2] =	sst s25  }
0xa6: {  	s5 =	sshll.u32 s26, $0x1;
	_ =	strace $0x8000004C;
	[dreg:$0x1] =	wrdreg $0xFFFFFFFF  }
0xa7: {  	s28 =	simm.s32 $_size_execute0_lowered;
	s3 =	sadd.s32 s3, s5;
	[dreg:$0x0] =	wrdreg $0x0  }
0xa8: {  	s5 =	sshll.u32 s28, $0x1;
	[dreg:$0x2] =	wrdreg s3  }
0xa9: {  	[dreg:$0x3] =	wrdreg s5  }
0xaa: {  	[dreg:$0x4] =	wrdreg $0xC0  }
0xab: {  	_ =	task [dreg:s7], $0x5FFFF  }
0xac: {  	[dreg:$0x1] =	wrdreg $0xFFFFFFFF  }
0xad: {  	[dreg:$0x0] =	wrdreg $0x60  }
0xae: {  	[dreg:$0x2] =	wrdreg s2  }
0xaf: {  	[dreg:$0x3] =	wrdreg s24  }
0xb0: {  	[dreg:$0x4] =	wrdreg $0x8E800  }
0xb1: {  	[dreg:$0x5] =	wrdreg $0x9  }
0xb2: {  	_ =	task.clear_ibuf [dreg:s7], $0x6FFFF;
	_ =	strace $0x9000004C  }
0xb3: {  	s29 =	simm.s32 $0x9;
	_ =	strace $0x8000004E  }
0xb4: {  	_ =	swait.ge [sflag:s29], $0x1  }
0xb5: {  	[sflag:s29] =	ssyncadd.s32 $0xFFFFFFFF  }
0xb6: {  	_ =	strace $0x9000004E  }
0xb7: {  	_ =	sfence  }
0xb8: {  	s30 =	sld [smem:$0x0];
	_ =	sdelay $0x2  }
0xb9: {  	s31 =	sshll.u32 s1, $0xD;
	s1 =	sshrl.u32 s1, $0x2  }
0xba: {  	s3 =	sand.u32 $0x4000, s31;
	s1 =	sadd.s32 s1, s30  }
0xbb: {  	s0 =	sor.u32 s3, s0;
	s1 =	sshll.u32 s1, $0x11  }
0xbc: {  	s0 =	sor.u32 s1, s0  }
0xbd: {  	s0 =	sadd.s32 $0x8F2B, s0  }
0xbe: {  	[sflag:s0] =	ssyncadd.remote.s32 $0x1  }
0xbf: {  	_ =	sfence.sel $0xFFFF  }
0xc0: {  	[dreg:$0x0] =	wrdreg $0xFFFFFFFF;
	(pc) =	sbr.abs _section_cstart, $3  }
0xc1: {  	[dreg:$0x1] =	wrdreg $0xFFFFFFFF  }
0xc2: {  	_ =	task.clear_ibuf [dreg:s7], $0x2FFFF;
	_ =	strace $0x9FFFFFFF  }
0xc3: {  	(tm) =	ssettm $0x7FFFFFFF  }
tec
execute0_lowered:
.L_overlay_start_1:
0x0: {  	(tag) =	ssettag $0x1  }
0x1: {  	s2 =	rddreg [dreg:$0x0]  }
0x2: {  	s1 =	srdreg.scid;
	s6 =	rddreg [dreg:$0x1]  }
0x3: {  	s0 =	stileid.u32;
	s3 =	rddreg [dreg:$0x2]  }
0x4: {  	s4 =	simm.s32 $0x0;
	s14 =	simm.s32 $0x7D;
	s15 =	simm.s32 $0x5000  }
0x5: {  	s16 =	simm.s32 $0x1;
	s17 =	simm.s32 $0x6F40;
	s18 =	simm.s32 $0x2  }
0x6: {  	s19 =	simm.s32 $0x2780;
	s20 =	simm.s32 $0x4F00;
	s21 =	simm.s32 $0x4F80  }
0x7: {  	s22 =	simm.s32 $0x0;
	s5 =	sand.u32 $0x1, s1;
	s26 =	sshll.u32 s0, $0x1  }
0x8: {  	s8 =	smul.u32 $0xA000, s0;
	[smem:$0x7FF] =	sst s4;
	s31 =	sshll.u32 s0, $0x6  }
0x9: {  	s1 =	sor.u32 s5, s26;
	s9 =	smul.u32 $0xA0000, s5;
	s5 =	ssub.s32 $0x2, s5  }
0xa: {  	s7 =	smul.u32 $0x500, s1;
	s1 =	rddreg [dreg:$0x3];
	_ =	strace $0x8000004D  }
0xb: {  	s29 =	sshrl.u32 s8, $0x3;
	s30 =	sshrl.u32 s5, $0x1;
	s13 =	sadd.s32 s8, s3  }
0xc: {  	s28 =	sadd.s32 s8, s9;
	s9 =	sadd.s32 s29, s6;
	s12 =	ssub.s32 s5, s30  }
0xd: {  	s10 =	sadd.s32 s7, s6;
	s7 =	sshrl.u32 s28, $0x3;
	s5 =	sadd.s32 $0x16000, s9  }
0xe: {  	s11 =	sadd.s32 s7, s6;
	s6 =	sor.u32 $0x1C03, s31;
	s7 =	sadd.s32 $0xC000, s10  }
0xf: {  	s8 =	sadd.s32 $0x2000, s10;
	s10 =	smax.u32 s12, $0x1;
	s12 =	simm.s32 $0x3  }
0x10: {  	s9 =	sadd.s32 $0x2A000, s11;
	s11 =	sshrl.u32 s13, $0x3;
	s13 =	simm.s32 $0x2800  }
.LBB2_1:
0x11: {  	[spmem:s11], [sflag:s6] =	dma.local [hbm:s5], $0x1400  }
0x12: {  	_ =	swait.ge [sflag:s12], $0x1400  }
0x13: {  	[sflag:s12] =	ssyncset.done $0x0  }
0x14: {  	[sflag:s12] =	ssyncadd.s32 $0xFFFFEC00  }
0x15: {  	[bflag:$0x0] =	sbarrier.arrive $0xFFFF  }
0x16: {  	[tilespmem:s4], [sflag:$0x3] =	stream.linear.gather [hbm4b:s7+s4], $0x2800, $0x38;
	[tilespmem:$0x12E80] =	vst v63  }
0x17: {  	_ =	swait.ge [sflag:s12], $0x2800  }
0x18: {  	[sflag:s12] =	ssyncset.done $0x0  }
0x19: {  	[sflag:s12] =	ssyncadd.s32 $0xFFFFD800  }
0x1a: {  	[tilespmem:s13], [sflag:$0x3] =	stream.linear.gather [hbm4b:s8+s4], $0x2800, $0x38;
	[tilespmem:$0x12E80] =	vst v63  }
0x1b: {  	_ =	swait.ge [sflag:s12], $0x2800  }
0x1c: {  	[sflag:s12] =	ssyncset.done $0x0  }
0x1d: {  	[sflag:s12] =	ssyncadd.s32 $0xFFFFD800  }
0x1e: {  	[tilespmem:s15], [sflag:$0x1] =	stream.indirect.gather [hbm4b:s2+s14], $0x40, s4, s14, $0xb8;
	[tilespmem:$0x12E80] =	vst v63  }
0x1f: {  	_ =	swait.ge [sflag:s16], $0x1F40  }
0x20: {  	[sflag:s16] =	ssyncset.done $0x0  }
0x21: {  	s23 =	simm.s32 $0x80;
	[sflag:s16] =	ssyncadd.s32 $0xFFFFE0C0  }
0x22: {  	[tilespmem:s17], [sflag:$0x2] =	stream.indirect.gather [hbm4b:s2+s14], $0x40, s23, s14, $0xb8;
	[tilespmem:$0x12E80] =	vst v63  }
0x23: {  	s29 =	simm.s32 $0x2800  }
0x24: {  	[spmem:s3] =	stream.indirect.scatter.add.f32 [tilespmem:s15], [sflag:$0x3], $0x40, s29, s14, $0xb8;
	[tilespmem:$0x12E80] =	vst v63  }
0x25: {  	_ =	swait.ge [sflag:s12], $0x1F40  }
0x26: {  	[sflag:s12] =	ssyncset.done $0x0  }
0x27: {  	[sflag:s12] =	ssyncadd.s32 $0xFFFFE0C0  }
0x28: {  	_ =	swait.ge [sflag:s18], $0x1F40  }
0x29: {  	[sflag:s18] =	ssyncset.done $0x0  }
0x2a: {  	s30 =	simm.s32 $0x100;
	[sflag:s18] =	ssyncadd.s32 $0xFFFFE0C0  }
0x2b: {  	[tilespmem:s15], [sflag:$0x1] =	stream.indirect.gather [hbm4b:s2+s14], $0x40, s30, s14, $0xb8;
	[tilespmem:$0x12E80] =	vst v63  }
0x2c: {  	s31 =	simm.s32 $0x2880  }
0x2d: {  	[spmem:s3] =	stream.indirect.scatter.add.f32 [tilespmem:s17], [sflag:$0x3], $0x40, s31, s14, $0xb8;
	[tilespmem:$0x12E80] =	vst v63  }
0x2e: {  	_ =	swait.ge [sflag:s12], $0x1F40  }
0x2f: {  	s23 =	simm.s32 $0x400;
	[sflag:s12] =	ssyncset.done $0x0  }
.LBB2_2:
0x30: {  	p0 =	sne.s32 s23, $0x9800  }
0x31: {  	[sflag:s12] =	ssyncadd.s32 $0xFFFFE0C0;
	s24 =	smov.u32 s23;
	s23 =	sadd.s32 $0x400, s23  }
0x32: {  	_ = 	snop  }
0x33: {  	_ =	swait.ge [sflag:s16], $0x1F40  }
0x34: {  	s24 =	sshra.s32 s24, $0x2;
	[sflag:s16] =	ssyncset.done $0x0  }
0x35: {  	s25 =	sadd.s32 $0x80, s24;
	[sflag:s16] =	ssyncadd.s32 $0xFFFFE0C0  }
0x36: {  	[tilespmem:s17], [sflag:$0x2] =	stream.indirect.gather [hbm4b:s2+s14], $0x40, s25, s14, $0xb8;
	[tilespmem:$0x12E80] =	vst v63  }
0x37: {  	s25 =	sadd.s32 $0x2800, s24  }
0x38: {  	[spmem:s3] =	stream.indirect.scatter.add.f32 [tilespmem:s15], [sflag:$0x3], $0x40, s25, s14, $0xb8;
	[tilespmem:$0x12E80] =	vst v63  }
0x39: {  	_ =	swait.ge [sflag:s12], $0x1F40  }
0x3a: {  	[sflag:s12] =	ssyncset.done $0x0  }
0x3b: {  	[sflag:s12] =	ssyncadd.s32 $0xFFFFE0C0  }
0x3c: {  	_ =	swait.ge [sflag:s18], $0x1F40  }
0x3d: {  	[sflag:s18] =	ssyncset.done $0x0  }
0x3e: {  	s25 =	sadd.s32 $0x100, s24;
	[sflag:s18] =	ssyncadd.s32 $0xFFFFE0C0  }
0x3f: {  	[tilespmem:s15], [sflag:$0x1] =	stream.indirect.gather [hbm4b:s2+s14], $0x40, s25, s14, $0xb8;
	[tilespmem:$0x12E80] =	vst v63  }
.Ltmp0:
0x40: {  	_ = 	snop;
	(pc) =	sbr.rel @p0 .LBB2_2-.Ltmp0, $4  }
0x41: {  	s24 =	sadd.s32 $0x2880, s24  }
0x42: {  	[spmem:s3] =	stream.indirect.scatter.add.f32 [tilespmem:s17], [sflag:$0x3], $0x40, s24, s14, $0xb8;
	[tilespmem:$0x12E80] =	vst v63  }
0x43: {  	_ =	swait.ge [sflag:s12], $0x1F40  }
0x44: {  	[sflag:s12] =	ssyncset.done $0x0  }
0x45: {  	[sflag:s12] =	ssyncadd.s32 $0xFFFFE0C0  }
0x46: {  	_ =	swait.ge [sflag:s16], $0x1F40  }
0x47: {  	[sflag:s16] =	ssyncset.done $0x0  }
0x48: {  	[sflag:s16] =	ssyncadd.s32 $0xFFFFE0C0  }
0x49: {  	[tilespmem:s17], [sflag:$0x2] =	stream.indirect.gather [hbm4b:s2+s14], $0x40, s19, s14, $0xb8;
	[tilespmem:$0x12E80] =	vst v63  }
0x4a: {  	_ = 	snop  }
0x4b: {  	[spmem:s3] =	stream.indirect.scatter.add.f32 [tilespmem:s15], [sflag:$0x3], $0x40, s20, s14, $0xb8;
	[tilespmem:$0x12E80] =	vst v63  }
0x4c: {  	_ =	swait.ge [sflag:s12], $0x1F40  }
0x4d: {  	[sflag:s12] =	ssyncset.done $0x0  }
0x4e: {  	[sflag:s12] =	ssyncadd.s32 $0xFFFFE0C0  }
0x4f: {  	_ =	swait.ge [sflag:s18], $0x1F40  }
0x50: {  	[sflag:s18] =	ssyncset.done $0x0  }
0x51: {  	[sflag:s18] =	ssyncadd.s32 $0xFFFFE0C0  }
0x52: {  	[spmem:s3] =	stream.indirect.scatter.add.f32 [tilespmem:s17], [sflag:$0x3], $0x40, s21, s14, $0xb8;
	[tilespmem:$0x12E80] =	vst v63  }
0x53: {  	_ =	swait.ge [sflag:s12], $0x1F40  }
0x54: {  	s22 =	sadd.s32 $0x1, s22;
	[sflag:s12] =	ssyncset.done $0x0  }
0x55: {  	p0 =	sne.s32 s22, s10;
	[sflag:s12] =	ssyncadd.s32 $0xFFFFE0C0  }
.Ltmp1:
0x56: {  	[bflag:$0x0] =	sbarrier.arrive $0xFFFF;
	(pc) =	sbr.rel @p0 .LBB2_1-.Ltmp1, $4  }
0x57: {  	[hbm:s9], [sflag:s6] =	dma.local [spmem:s11], $0x1400  }
0x58: {  	_ =	swait.ge [sflag:s12], $0x1400  }
0x59: {  	[sflag:s12] =	ssyncset.done $0x0  }
0x5a: {  	[sflag:s12] =	ssyncadd.s32 $0xFFFFEC00  }
0x5b: {  	_ =	sfence.sel $0x180000  }
0x5c: {  	[bflag:$0x0] =	sbarrier.arrive $0xFFFF  }
0x5d: {  	p0 =	sne.s32 s0, $0x0;
	_ =	strace $0x9000004D  }
0x5e: {  	s0 =	sadd.s32 @!p0 $0x100000, s1;
	[bflag:$0x2] =	sbarrier.arrive $0xFFFF  }
0x5f: {  	[sflag:s0] =	ssyncadd.tile.s32 @!p0 $0x1;
	_ =	shalt  }
.Lfunc_end2:
_tile_overlayer_lowered:
.L_overlay_start_2:
0x60: {  	(tag) =	ssettag $0x2  }
0x61: {  	s0 =	rddreg [dreg:$0x0];
	s2 =	stileid.u32  }
0x62: {  	s1 =	rddreg [dreg:$0x1];
	p0 =	sne.s32 s2, $0x0  }
0x63: {  	s3 =	rddreg [dreg:$0x2];
	[bflag:$0x3] =	sbarrier.arrive $0xFFFF;
	s2 =	simm.s32 @!p0 $0x1C03  }
0x64: {  	[timem:s3], [sflag:s2] =	dma.local @!p0 [hbm:s0], s1  }
0x65: {  	s0 =	simm.s32 @!p0 $0x3  }
0x66: {  	_ =	swait.ge @!p0 [sflag:s0], s1  }
0x67: {  	s1 =	ssub.s32 @!p0 $0x0, s1;
	[sflag:s0] =	ssyncset.done @!p0 $0x0  }
0x68: {  	[sflag:s0] =	ssyncadd.s32 @!p0 s1  }
0x69: {  	[bflag:$0x3] =	sbarrier.arrive $0xFFFF  }
0x6a: {  	_ =	shalt  }

// kernel: kernel.8.cloned.1.call-start
scs
__scs_entry_jumppad:
0x0: {  	(pc) =	sbr.rel $0x88, $3  }
0x1: {  	(tag) =	ssettag $0x0;
	lr =	simm.s32 $0x1  }
0x2: {  	[smem:$0x3F9B] =	sst lr;
	_ =	strace $0xD0000000  }
0x3: {  	_ = 	snop  }
0x4: {  	_ = 	snop  }
0x5: {  	_ = 	snop  }
0x6: {  	_ = 	snop  }
0x7: {  	_ = 	snop  }
__scs_overlays_trampoline_lowered:
0x8: {  	[smem:$0x3FAA] =	sst s0  }
0x9: {  	[smem:$0x3FAB] =	sst s1  }
0xa: {  	[smem:$0x3FAC] =	sst s2  }
0xb: {  	[smem:$0x3FAD] =	sst s3  }
0xc: {  	[smem:$0x3FAE] =	sst s4  }
0xd: {  	[smem:$0x3FAF] =	sst s5  }
0xe: {  	[smem:$0x3FB0] =	sst s6  }
0xf: {  	[smem:$0x3FB1] =	sst s7  }
0x10: {  	[smem:$0x3FB2] =	sst s8  }
0x11: {  	[smem:$0x3FB3] =	sst s9;
	s0 =	simm.s32 @!p0 $0x0  }
0x12: {  	s1 =	sld [smem:$0x3F99];
	s0 =	simm.s32 @p0 $0x1  }
0x13: {  	[smem:$0x3FB4] =	sst s0;
	s0 =	simm.s32 @!p1 $0x0  }
0x14: {  	s2 =	sld [smem:$0x3F98];
	s0 =	simm.s32 @p1 $0x1  }
0x15: {  	[smem:$0x3FB5] =	sst s0;
	s0 =	simm.s32 @!p2 $0x0  }
0x16: {  	s3 =	sld [smem:$0x3FDB];
	s0 =	simm.s32 @p2 $0x1  }
0x17: {  	s4 =	simm.s32 $0x1BF5;
	[smem:$0x3FB7] =	sst s0  }
0x18: {  	s0 =	sld [smem:$0x3F9A];
	_ =	swait.ge [sflag:s4], $0x0  }
0x19: {  	s7 =	sld [smem:$0x3F9B]  }
0x1a: {  	s8 =	sadd.s32 $0xFFFFE003, lr  }
0x1b: {  	s9 =	sadd.s32 $0xFFFFFEF7, lr;
	s5 =	simm.s32 $0xFFFFFFFF;
	p2 =	slt.u32 s8, $0xFFFFF086  }
0x1c: {  	p1 =	slt.u32 s9, $0xF7A;
	s5 =	simm.s32 @!p2 $0x0  }
0x1d: {  	s5 =	simm.s32 @p1 $0x1;
	p0 =	seq.s32 s7, s2  }
0x1e: {  	s7 =	smul.u32 @!p0 $0xF7A, s2;
	p2 =	seq.s32 @!p0 s5, $0x0  }
0x1f: {  	s9 =	smul.u32 $0xF7A, s1;
	s8 =	simm.s32 @!p0 $0x1BF5;
	p2 =	por !p2, p0  }
0x20: {  	[sflag:s8] =	ssyncset.s32 @!p0 $0xFFFFF086;
	s6 =	sadd.s32 @!p0 s3, s7;
	s7 =	simm.s32 @!p0 $0x108  }
0x21: {  	s3 =	sadd.s32 s3, s9;
	s6 =	sadd.s32 @!p0 $0x88, s6;
	s7 =	simm.s32 @p2 $0x1082  }
0x22: {  	[simem:s7], [sflag:s8] =	dma.local @!p0 [hbm:s6], $0xF7A  }
0x23: {  	s9 =	sor.u32 $0xD0000000, s2;
	s6 =	simm.s32 $0x108;
	_ =	swait.ge @!p0 [sflag:s8], $0x0  }
0x24: {  	s3 =	sadd.s32 $0x88, s3;
	s6 =	simm.s32 @!p1 $0x1082;
	[sflag:s4] =	ssyncset.s32 $0xFFFFF086  }
0x25: {  	[simem:s6], [sflag:s4] =	dma.local [hbm:s3], $0xF7A  }
0x26: {  	[smem:$0x3F9B] =	sst s1;
	(tag) =	ssettag s2;
	_ =	strace s9  }
0x27: {  	s1 =	sld [smem:$0x3FAB]  }
0x28: {  	s2 =	sld [smem:$0x3FAC]  }
0x29: {  	s4 =	sld [smem:$0x3FAE]  }
0x2a: {  	p0 =	seq.s32 s5, $0x0;
	s5 =	sld [smem:$0x3FAF]  }
0x2b: {  	s6 =	sld [smem:$0x3FB0]  }
0x2c: {  	s7 =	sld [smem:$0x3FB1]  }
0x2d: {  	s3 =	simm.s32 $0x108;
	s8 =	sld [smem:$0x3FB2]  }
0x2e: {  	s3 =	simm.s32 @!p0 $0x1082;
	s9 =	sld [smem:$0x3FB3]  }
0x2f: {  	lr =	sadd.s32 s0, s3;
	s0 =	sld [smem:$0x3FAA]  }
0x30: {  	s3 =	sld [smem:$0x3FAD]  }
0x31: {  	[smem:$0x3FB6] =	sst s10  }
0x32: {  	s10 =	sld [smem:$0x3FB4];
	_ =	sdelay $0x3  }
0x33: {  	p0 =	seq.s32 s10, $0x1;
	s10 =	sld [smem:$0x3FB6];
	_ =	sdelay $0x3  }
0x34: {  	[smem:$0x3FB6] =	sst s10  }
0x35: {  	s10 =	sld [smem:$0x3FB5];
	_ =	sdelay $0x3  }
0x36: {  	p1 =	seq.s32 s10, $0x1;
	s10 =	sld [smem:$0x3FB6];
	_ =	sdelay $0x3  }
0x37: {  	[smem:$0x3FB6] =	sst s10  }
0x38: {  	s10 =	sld [smem:$0x3FB7]  }
0x39: {  	_ = 	snop;
	(pc) =	sbr.ind lr, $3  }
0x3a: {  	_ = 	snop  }
0x3b: {  	_ = 	snop  }
0x3c: {  	p2 =	seq.s32 s10, $0x1;
	s10 =	sld [smem:$0x3FB6]  }
0x3d: {  	_ =	shalt  }
0x3e: {  	_ =	shalt  }
0x3f: {  	_ =	shalt  }
0x40: {  	_ =	shalt  }
0x41: {  	_ =	shalt  }
0x42: {  	_ =	shalt  }
0x43: {  	_ =	shalt  }
0x44: {  	_ =	shalt  }
0x45: {  	_ =	shalt  }
0x46: {  	_ =	shalt  }
0x47: {  	_ =	shalt  }
0x48: {  	_ =	shalt  }
0x49: {  	_ =	shalt  }
0x4a: {  	_ =	shalt  }
0x4b: {  	_ =	shalt  }
0x4c: {  	_ =	shalt  }
0x4d: {  	_ =	shalt  }
0x4e: {  	_ =	shalt  }
0x4f: {  	_ =	shalt  }
0x50: {  	_ =	shalt  }
0x51: {  	_ =	shalt  }
0x52: {  	_ =	shalt  }
0x53: {  	_ =	shalt  }
0x54: {  	_ =	shalt  }
0x55: {  	_ =	shalt  }
0x56: {  	_ =	shalt  }
0x57: {  	_ =	shalt  }
0x58: {  	_ =	shalt  }
0x59: {  	_ =	shalt  }
0x5a: {  	_ =	shalt  }
0x5b: {  	_ =	shalt  }
0x5c: {  	_ =	shalt  }
0x5d: {  	_ =	shalt  }
0x5e: {  	_ =	shalt  }
0x5f: {  	_ =	shalt  }
0x60: {  	_ =	shalt  }
0x61: {  	_ =	shalt  }
0x62: {  	_ =	shalt  }
0x63: {  	_ =	shalt  }
0x64: {  	_ =	shalt  }
0x65: {  	_ =	shalt  }
0x66: {  	_ =	shalt  }
0x67: {  	_ =	shalt  }
0x68: {  	_ =	shalt  }
0x69: {  	_ =	shalt  }
0x6a: {  	_ =	shalt  }
0x6b: {  	_ =	shalt  }
0x6c: {  	_ =	shalt  }
0x6d: {  	_ =	shalt  }
0x6e: {  	_ =	shalt  }
0x6f: {  	_ =	shalt  }
0x70: {  	_ =	shalt  }
0x71: {  	_ =	shalt  }
0x72: {  	_ =	shalt  }
0x73: {  	_ =	shalt  }
0x74: {  	_ =	shalt  }
0x75: {  	_ =	shalt  }
0x76: {  	_ =	shalt  }
0x77: {  	_ =	shalt  }
0x78: {  	_ =	shalt  }
0x79: {  	_ =	shalt  }
0x7a: {  	_ =	shalt  }
0x7b: {  	_ =	shalt  }
0x7c: {  	_ =	shalt  }
0x7d: {  	_ =	shalt  }
0x7e: {  	_ =	shalt  }
0x7f: {  	_ =	shalt  }
0x80: {  	_ =	shalt  }
0x81: {  	_ =	shalt  }
0x82: {  	_ =	shalt  }
0x83: {  	_ =	shalt  }
0x84: {  	_ =	shalt  }
0x85: {  	_ =	shalt  }
0x86: {  	_ =	shalt  }
0x87: {  	_ =	shalt  }
.Lfunc_end0:
.L_simem_size_0:
called_computation_lowered:
.L_overlay_start_0:
0x88: {  	s2 =	sld [smem:$0x3FD9]  }
0x89: {  	s3 =	sld [smem:$0x3FFE];
	_ =	sdelay $0x1  }
0x8a: {  	s1 =	srdreg.scid  }
0x8b: {  	s0 =	sand.u32 $0x1, s1  }
0x8c: {  	s16 =	sshll.u32 s0, $0xA;
	s2 =	sadd.s32 s3, s2  }
0x8d: {  	s2 =	sadd.s32 s2, s16  }
0x8e: {  	[smem:$0x3FC2] =	sst s2  }
0x8f: {  	_ = 	snop  }
0x90: {  	(tm) =	ssettm $0x1  }
0x91: {  	s17 =	sld [smem:$0x3FFB];
	_ =	sdelay $0x3  }
0x92: {  	_ =	strace s17  }
0x93: {  	s2 =	sld [smem:$0x3FFC];
	_ =	sdelay $0x3  }
0x94: {  	_ =	strace s2  }
0x95: {  	s2 =	sld [smem:$0x3FFD];
	_ =	sdelay $0x3  }
0x96: {  	_ =	strace s2  }
0x97: {  	_ =	strace $0x8FFFFFFF  }
0x98: {  	s18 =	sld [smem:$0x3FDB];
	_ =	sdelay $0x1  }
0x99: {  	s19 =	simm.s32 $_scs_section_size  }
0x9a: {  	s4 =	simm.s32 $_size__tile_overlayer_lowered;
	s5 =	simm.s32 $_tile_overlayer_lowered  }
0x9b: {  	s22 =	simm.s32 $0x1BFF;
	s21 =	sshll.u32 s5, $0x1;
	s2 =	sadd.s32 s19, s18  }
0x9c: {  	s6 =	simm.s32 $0x0;
	s20 =	sshll.u32 s4, $0x1;
	s4 =	sadd.s32 s21, s2  }
0x9d: {  	[timem:s6], [sflag:s22] =	dma.local [hbm:s4], s20  }
0x9e: {  	_ =	swait.ge [sflag:s22], s20  }
0x9f: {  	s3 =	ssub.s32 $0x0, s20;
	[sflag:s22] =	ssyncset.done $0x0  }
0xa0: {  	[sflag:s22] =	ssyncadd.s32 s3;
	_ =	sdelay $0x1  }
0xa1: {  	s23 =	simm.s32 $0x1B8B  }
0xa2: {  	_ =	swait.ge [sflag:s23], $0x1  }
0xa3: {  	[sflag:s23] =	ssyncset.done $0x0  }
0xa4: {  	s25 =	simm.s32 $0x1B8E;
	s24 =	sld [smem:$0x3FFE];
	[sflag:s23] =	ssyncadd.s32 $0xFFFFFFFF  }
0xa5: {  	s26 =	simm.s32 $execute0_lowered;
	[smem:$0x3FD2] =	sst s25  }
0xa6: {  	s4 =	sshll.u32 s26, $0x1;
	_ =	strace $0x80000046;
	[dreg:$0x1] =	wrdreg $0xFFFFFFFF  }
0xa7: {  	s28 =	simm.s32 $_size_execute0_lowered;
	s2 =	sadd.s32 s2, s4;
	[dreg:$0x0] =	wrdreg $0x0  }
0xa8: {  	s4 =	sshll.u32 s28, $0x1;
	[dreg:$0x2] =	wrdreg s2  }
0xa9: {  	[dreg:$0x3] =	wrdreg s4  }
0xaa: {  	[dreg:$0x4] =	wrdreg $0xC0  }
0xab: {  	_ =	task [dreg:s6], $0x5FFFF  }
0xac: {  	[dreg:$0x1] =	wrdreg $0xFFFFFFFF  }
0xad: {  	[dreg:$0x0] =	wrdreg $0x60  }
0xae: {  	[dreg:$0x2] =	wrdreg s24  }
0xaf: {  	[dreg:$0x3] =	wrdreg $0x50800  }
0xb0: {  	[dreg:$0x4] =	wrdreg $0x9  }
0xb1: {  	_ =	task.clear_ibuf [dreg:s6], $0x5FFFF;
	_ =	strace $0x90000046  }
0xb2: {  	s29 =	simm.s32 $0x9;
	_ =	strace $0x80000048  }
0xb3: {  	_ =	swait.ge [sflag:s29], $0x1  }
0xb4: {  	[sflag:s29] =	ssyncadd.s32 $0xFFFFFFFF  }
0xb5: {  	_ =	strace $0x90000048  }
0xb6: {  	_ =	sfence  }
0xb7: {  	s30 =	sld [smem:$0x0];
	_ =	sdelay $0x2  }
0xb8: {  	s31 =	sshll.u32 s1, $0xD;
	s1 =	sshrl.u32 s1, $0x2  }
0xb9: {  	s3 =	sand.u32 $0x4000, s31;
	s1 =	sadd.s32 s1, s30  }
0xba: {  	s0 =	sor.u32 s3, s0;
	s1 =	sshll.u32 s1, $0x11  }
0xbb: {  	s0 =	sor.u32 s1, s0  }
0xbc: {  	s0 =	sadd.s32 $0x8F2B, s0  }
0xbd: {  	[sflag:s0] =	ssyncadd.remote.s32 $0x1  }
0xbe: {  	_ =	sfence.sel $0xFFFF  }
0xbf: {  	[dreg:$0x0] =	wrdreg $0xFFFFFFFF;
	(pc) =	sbr.abs _section_cstart, $3  }
0xc0: {  	[dreg:$0x1] =	wrdreg $0xFFFFFFFF  }
0xc1: {  	_ =	task.clear_ibuf [dreg:s6], $0x2FFFF;
	_ =	strace $0x9FFFFFFF  }
0xc2: {  	(tm) =	ssettm $0x7FFFFFFF  }
0xc3: {  	_ =	shalt  }
tec
execute0_lowered:
.L_overlay_start_1:
0x0: {  	(tag) =	ssettag $0x1  }
0x1: {  	s1 =	srdreg.scid  }
0x2: {  	s0 =	stileid.u32;
	s5 =	rddreg [dreg:$0x0]  }
0x3: {  	s2 =	rddreg [dreg:$0x1];
	s14 =	simm.s32 $0x2800;
	s15 =	simm.s32 $0x7D  }
0x4: {  	s16 =	simm.s32 $0x1;
	s6 =	sand.u32 $0x1, s1;
	s11 =	smul.u32 $0x500, s0  }
0x5: {  	s17 =	simm.s32 $0x0;
	s8 =	sshrl.u32 s0, $0x3;
	s7 =	smul.u32 $0x5000, s6  }
0x6: {  	s28 =	sshll.u32 s0, $0x1;
	s9 =	sand.u32 $0x7, s0;
	s8 =	smul.u32 $0x2800, s8  }
0x7: {  	s1 =	rddreg [dreg:$0x2];
	s3 =	sor.u32 s6, s28;
	s9 =	smul.u32 $0x500, s9  }
0x8: {  	s31 =	sshll.u32 s0, $0x6;
	s6 =	ssub.s32 $0x2, s6;
	s4 =	smul.u32 $0x2800, s3  }
0x9: {  	s3 =	simm.s32 $0x0;
	s29 =	sshrl.u32 s11, $0x3;
	s30 =	sshrl.u32 s6, $0x1  }
0xa: {  	s11 =	sadd.s32 s11, s2;
	[smem:$0x7FF] =	sst s3;
	s7 =	sadd.s32 s7, s8  }
0xb: {  	s8 =	sadd.s32 s29, s5;
	s13 =	ssub.s32 s6, s30;
	s6 =	sor.u32 $0x1C02, s31  }
0xc: {  	s11 =	sshrl.u32 s11, $0x3;
	s4 =	sshrl.u32 s4, $0x3;
	s7 =	sadd.s32 s9, s7  }
0xd: {  	_ =	strace $0x80000047;
	s10 =	sadd.s32 s4, s5;
	s7 =	sshrl.u32 s7, $0x3  }
0xe: {  	s4 =	sadd.s32 $0x16A00, s5;
	s12 =	sadd.s32 s7, s5;
	s5 =	sadd.s32 $0x16000, s8  }
0xf: {  	s7 =	sadd.s32 $0x2000, s10;
	s8 =	sadd.s32 $0xC000, s10;
	s10 =	smax.u32 s13, $0x1  }
0x10: {  	s13 =	simm.s32 $0x5000;
	s9 =	sadd.s32 $0x16C00, s12;
	s12 =	simm.s32 $0x2  }
.LBB2_1:
0x11: {  	[spmem:s11], [sflag:s6] =	dma.local [hbm:s5], $0xA0  }
0x12: {  	_ =	swait.ge [sflag:s12], $0xA0  }
0x13: {  	[sflag:s12] =	ssyncset.done $0x0  }
0x14: {  	[sflag:s12] =	ssyncadd.s32 $0xFFFFFF60  }
0x15: {  	[tilespmem:s13], [sflag:$0x2] =	stream.linear.gather [hbm4b:s4+s3], $0x80, $0x38;
	[tilespmem:$0x5580] =	vst v63  }
0x16: {  	_ =	swait.ge [sflag:s12], $0x80  }
0x17: {  	[sflag:s12] =	ssyncset.done $0x0  }
0x18: {  	[sflag:s12] =	ssyncadd.s32 $0xFFFFFF80  }
0x19: {  	[tilespmem:s3], [sflag:$0x2] =	stream.linear.gather [hbm4b:s7+s3], $0x2800, $0x38;
	[tilespmem:$0x5580] =	vst v63  }
0x1a: {  	_ =	swait.ge [sflag:s12], $0x2800  }
0x1b: {  	[sflag:s12] =	ssyncset.done $0x0  }
0x1c: {  	[sflag:s12] =	ssyncadd.s32 $0xFFFFD800  }
0x1d: {  	[tilespmem:s14], [sflag:$0x2] =	stream.linear.gather [hbm4b:s8+s3], $0x2800, $0x38;
	[tilespmem:$0x5580] =	vst v63  }
0x1e: {  	_ =	swait.ge [sflag:s12], $0x2800  }
0x1f: {  	[sflag:s12] =	ssyncset.done $0x0  }
0x20: {  	[sflag:s12] =	ssyncadd.s32 $0xFFFFD800  }
0x21: {  	s18 =	simm.s32 $0x0;
	[bflag:$0x0] =	sbarrier.arrive $0xFFFF  }
.LBB2_2:
0x22: {  	p0 =	sne.s32 s18, $0x9E00  }
.Ltmp0:
0x23: {  	_ = 	snop;
	(pc) =	sbr.rel @p0 .LBB2_2-.Ltmp0, $3  }
0x24: {  	_ =	sdelay $0x1  }
0x25: {  	s19 =	sshra.s32 s18, $0x2;
	s18 =	sadd.s32 $0x200, s18  }
0x26: {  	[spmem:s2] =	stream.indirect.scatter.add.f32 [tilespmem:s13], [sflag:$0x1], $0x1, s19, s15, $0xb8;
	[tilespmem:$0x5580] =	vst v63  }
0x27: {  	s18 =	simm.s32 $0x0  }
.LBB2_4:
0x28: {  	p0 =	sne.s32 s18, $0x9E00  }
.Ltmp1:
0x29: {  	_ = 	snop;
	(pc) =	sbr.rel @p0 .LBB2_4-.Ltmp1, $4  }
0x2a: {  	_ = 	snop  }
0x2b: {  	s19 =	sshra.s32 s18, $0x2  }
0x2c: {  	s18 =	sadd.s32 $0x200, s18;
	s19 =	sadd.s32 $0x2800, s19  }
0x2d: {  	[spmem:s2] =	stream.indirect.scatter.add.f32 [tilespmem:s13], [sflag:$0x1], $0x1, s19, s15, $0xb8;
	[tilespmem:$0x5580] =	vst v63  }
0x2e: {  	_ =	swait.ge [sflag:s16], $0x7D  }
0x2f: {  	s18 =	simm.s32 $0x9F;
	[sflag:s16] =	ssyncset.done $0x0  }
.LBB2_6:
0x30: {  	p0 =	sne.s32 s18, $0x1;
	s18 =	sadd.s32 $0xFFFFFFFF, s18;
	[sflag:s16] =	ssyncadd.s32 $0xFFFFFF83  }
.Ltmp2:
0x31: {  	(pc) =	sbr.rel @p0 .LBB2_6-.Ltmp2, $3  }
0x32: {  	_ =	sdelay $0x1  }
0x33: {  	_ =	swait.ge [sflag:s16], $0x7D  }
0x34: {  	[sflag:s16] =	ssyncset.done $0x0  }
0x35: {  	s17 =	sadd.s32 $0x1, s17  }
0x36: {  	[sflag:s16] =	ssyncadd.s32 $0xFFFFFF83;
	p0 =	sne.s32 s17, s10  }
.Ltmp3:
0x37: {  	[bflag:$0x0] =	sbarrier.arrive $0xFFFF;
	(pc) =	sbr.rel @p0 .LBB2_1-.Ltmp3, $4  }
0x38: {  	[hbm:s9], [sflag:s6] =	dma.local [spmem:s11], $0xA0  }
0x39: {  	_ =	swait.ge [sflag:s12], $0xA0  }
0x3a: {  	[sflag:s12] =	ssyncset.done $0x0  }
0x3b: {  	[sflag:s12] =	ssyncadd.s32 $0xFFFFFF60  }
0x3c: {  	_ =	sfence.sel $0x180000  }
0x3d: {  	[bflag:$0x0] =	sbarrier.arrive $0xFFFF  }
0x3e: {  	p0 =	sne.s32 s0, $0x0;
	_ =	strace $0x90000047  }
0x3f: {  	s0 =	sadd.s32 @!p0 $0x100000, s1;
	[bflag:$0x2] =	sbarrier.arrive $0xFFFF  }
0x40: {  	[sflag:s0] =	ssyncadd.tile.s32 @!p0 $0x1;
	_ =	shalt  }
.Lfunc_end2:
_tile_overlayer_lowered:
.L_overlay_start_2:
0x41: {  	(tag) =	ssettag $0x2  }
0x42: {  	s0 =	rddreg [dreg:$0x0];
	s2 =	stileid.u32  }
0x43: {  	s1 =	rddreg [dreg:$0x1];
	p0 =	sne.s32 s2, $0x0  }
0x44: {  	s3 =	rddreg [dreg:$0x2];
	[bflag:$0x3] =	sbarrier.arrive $0xFFFF;
	s2 =	simm.s32 @!p0 $0x1C02  }
0x45: {  	[timem:s3], [sflag:s2] =	dma.local @!p0 [hbm:s0], s1  }
0x46: {  	s0 =	simm.s32 @!p0 $0x2  }
0x47: {  	_ =	swait.ge @!p0 [sflag:s0], s1  }
0x48: {  	s1 =	ssub.s32 @!p0 $0x0, s1;
	[sflag:s0] =	ssyncset.done @!p0 $0x0  }
0x49: {  	[sflag:s0] =	ssyncadd.s32 @!p0 s1  }
0x4a: {  	[bflag:$0x3] =	sbarrier.arrive $0xFFFF  }
0x4b: {  	_ =	shalt  }

</sc_bundles>
